<compile_context>
chip_gen: v7x
topology: tpu7x:2x2x1
jax: 0.10.2.dev20260603
libtpu: 0.0.44.dev20260713+nightly
codegen_flags: <defaults>
</compile_context>

<pallas_src>
import functools

import jax
import jax.numpy as jnp
from jax import lax
from jax.experimental import pallas as pl
from jax.experimental.pallas import tpu as pltpu
from jax.experimental.pallas import tpu_sc as plsc

_T = 16384
_D = 2048
_LANES = 16
_NC = 2
_NS = 16
_NW = _NC * _NS
_ROWS_PER_W = _T // _NW
_CHUNK = 8
_NCHUNK = _ROWS_PER_W // _CHUNK
_NBUF = 4
_K = 2


def _make_kernel():
  mesh = plsc.VectorSubcoreMesh(core_axis_name="c", subcore_axis_name="s")

  @functools.partial(
      pl.kernel,
      mesh=mesh,
      out_type=jax.ShapeDtypeStruct((_T, _D), jnp.float32),
      scratch_types=(
          [pltpu.VMEM((_CHUNK, _D), jnp.float32)] * _NBUF
          + [pltpu.VMEM((1, _D), jnp.float32), pltpu.VMEM((1,), jnp.int32)]
          + [pltpu.SemaphoreType.DMA] * (2 * _NBUF)
      ),
  )
  def add_embed(x_hbm, idx_hbm, emb_hbm, out_hbm, *refs):
    bufs = refs[:_NBUF]
    emb_v = refs[_NBUF]
    idx_v = refs[_NBUF + 1]
    isems = refs[_NBUF + 2:_NBUF + 2 + _NBUF]
    osems = refs[_NBUF + 2 + _NBUF:]

    wid = lax.axis_index("s") * _NC + lax.axis_index("c")
    base = wid * _ROWS_PER_W

    pltpu.sync_copy(idx_hbm, idx_v)
    pltpu.async_copy(emb_hbm.at[idx_v], emb_v, osems[0]).wait()

    def start_in(ch, b):
      pltpu.async_copy(
          x_hbm.at[pl.ds(base + ch * _CHUNK, _CHUNK)], bufs[b], isems[b])

    for ch in range(_K):
      start_in(ch, ch % _NBUF)

    def outer(i, _):
      c = i * _NBUF
      for b in range(_NBUF):
        ch = c + b

        t = ch + _K
        bt = (b + _K) % _NBUF

        @pl.when(t < _NCHUNK)
        def _():
          @pl.when(t >= _NBUF)
          def _():
            pltpu.make_async_copy(
                bufs[bt], out_hbm.at[pl.ds(0, _CHUNK)], osems[bt]).wait()

          start_in(t, bt)

        pltpu.make_async_copy(
            x_hbm.at[pl.ds(0, _CHUNK)], bufs[b], isems[b]).wait()

        def col_body(j, _):
          col = pl.multiple_of(j * _LANES, _LANES)
          ev = emb_v[0, pl.ds(col, _LANES)]
          for r in range(_CHUNK):
            plsc.addupdate(bufs[b].at[r, pl.ds(col, _LANES)], ev)
          return 0

        lax.fori_loop(0, _D // _LANES, col_body, 0)

        pltpu.async_copy(
            bufs[b], out_hbm.at[pl.ds(base + ch * _CHUNK, _CHUNK)], osems[b])

      return 0

    lax.fori_loop(0, _NCHUNK // _NBUF, outer, 0)

    for b in range(_NBUF):
      pltpu.make_async_copy(
          bufs[b], out_hbm.at[pl.ds(0, _CHUNK)], osems[b]).wait()

  return add_embed


_add_embed_call = _make_kernel()


@jax.jit
def kernel(input_features, modality_indices, embedding_weight):
  out = _add_embed_call(
      input_features, modality_indices.astype(jnp.int32), embedding_weight
  )
  return out[None]

# --- scband reference (transcript-rebuilt; emitter-appended) ---
"""Pipeline reference for scband-modality-embedding-17927193493814 (READ-ONLY COPY).

The authoritative reference and input builder live on the scoring server;
editing this copy changes nothing except your own understanding.
"""

import jax, jax.numpy as jnp
import numpy as np

T = 16384
D = 2048
NUM_MODALITIES = 4

def setup_inputs(seed: int = 0) -> dict:
    key = jax.random.key(seed)
    k1, k2, k3 = jax.random.split(key, 3)
    input_features = jax.random.normal(k1, (T, D), dtype=jnp.float32)
    modality_indices = jax.random.randint(k2, (1,), 0, NUM_MODALITIES, dtype=jnp.int32)
    embedding_weight = jax.random.normal(k3, (NUM_MODALITIES, D), dtype=jnp.float32) * 0.02
    return {"input_features": input_features, "modality_indices": modality_indices, "embedding_weight": embedding_weight}

def reference(input_features, modality_indices, embedding_weight):
    # Torch forward: modality_indices.dim()==1 == input_features.dim()-1 -> unsqueeze(-1)
    idx = modality_indices[..., None]  # [1, 1]
    # nn.Embedding lookup -> gather rows of the table
    modality_embed = jnp.take(embedding_weight, idx, axis=0)  # [1, 1, D]
    # dropout=0.0 -> Identity. Broadcast add: [T, D] + [1, 1, D] -> [1, T, D]
    out = input_features + modality_embed
    return out

if __name__ == "__main__":
    import jax
    _d = setup_inputs()
    print(jax.jit(kernel)(*tuple(_d.values())))

</pallas_src>

<mosaic_0001>
#map = affine_map<(d0, d1) -> (0, 0)>
#map1 = affine_map<(d0, d1) -> (0)>
module attributes {stable_mosaic.version = 14 : i64} {
  func.func @add_embed(%arg0: i32, %arg1: i32, %arg2: memref<16384x2048xf32, #tpu.memory_space<hbm>>, %arg3: memref<1xi32, #tpu.memory_space<hbm>>, %arg4: memref<4x2048xf32, #tpu.memory_space<hbm>>, %arg5: memref<16384x2048xf32, #tpu.memory_space<hbm>>, %arg6: memref<8x2048xf32, #tpu.memory_space<vmem>>, %arg7: memref<8x2048xf32, #tpu.memory_space<vmem>>, %arg8: memref<8x2048xf32, #tpu.memory_space<vmem>>, %arg9: memref<8x2048xf32, #tpu.memory_space<vmem>>, %arg10: memref<1x2048xf32, #tpu.memory_space<vmem>>, %arg11: memref<1xi32, #tpu.memory_space<vmem>>, %arg12: memref<!tpu.dma_semaphore, #tpu.memory_space<semaphore_mem>>, %arg13: memref<!tpu.dma_semaphore, #tpu.memory_space<semaphore_mem>>, %arg14: memref<!tpu.dma_semaphore, #tpu.memory_space<semaphore_mem>>, %arg15: memref<!tpu.dma_semaphore, #tpu.memory_space<semaphore_mem>>, %arg16: memref<!tpu.dma_semaphore, #tpu.memory_space<semaphore_mem>>, %arg17: memref<!tpu.dma_semaphore, #tpu.memory_space<semaphore_mem>>, %arg18: memref<!tpu.dma_semaphore, #tpu.memory_space<semaphore_mem>>, %arg19: memref<!tpu.dma_semaphore, #tpu.memory_space<semaphore_mem>>) attributes {dimension_semantics = [#tpu.dimension_semantics<core_parallel>, #tpu.dimension_semantics<subcore_parallel>], iteration_bounds = array<i64: 2, 16>, scalar_prefetch = 0 : i64, scratch_operands = 14 : i64, tpu.core_type = #tpu.core_type<sc_vector_subcore>, window_params = [{transform_indices = #map}, {transform_indices = #map1}, {transform_indices = #map}, {transform_indices = #map}]} {
    %mul3A = arith.constant 2 : i32
    %mul3A_0 = arith.muli %arg1, %mul3A : i32
    %add3A = arith.addi %mul3A_0, %arg0 : i32
    %mul3A_1 = arith.constant 512 : i32
    %mul3A_2 = arith.muli %add3A, %mul3A_1 : i32
    "tpu.region"() ({
      %run_scoped3A = tpu.sem_alloc : memref<!tpu.dma_semaphore, #tpu.memory_space<semaphore_mem>>
      tpu.enqueue_dma source(%arg3 : memref<1xi32, #tpu.memory_space<hbm>>) target(%arg11 : memref<1xi32, #tpu.memory_space<vmem>>) target_semaphore(%run_scoped3A : memref<!tpu.dma_semaphore, #tpu.memory_space<semaphore_mem>>)
      tpu.wait_dma2 semaphore(%run_scoped3A : memref<!tpu.dma_semaphore, #tpu.memory_space<semaphore_mem>>) src(%arg3 : memref<1xi32, #tpu.memory_space<hbm>>) dst(%arg11 : memref<1xi32, #tpu.memory_space<vmem>>)
      tpu.yield
    }) : () -> ()
    %dma_start3A = arith.constant 0 : i32
    %dma_start3A_3 = arith.constant 0 : i32
    %dma_start3A_4 = tpu.memref_slice %arg4[%dma_start3A, %dma_start3A_3] : memref<4x2048xf32, #tpu.memory_space<hbm>> -> memref<4x2048xf32, #tpu.memory_space<hbm>>
    tpu.enqueue_indirect_dma source(%dma_start3A_4 : memref<4x2048xf32, #tpu.memory_space<hbm>>) target(%arg10 : memref<1x2048xf32, #tpu.memory_space<vmem>>) offsets(%arg11 : memref<1xi32, #tpu.memory_space<vmem>>) semaphore(%arg16 : memref<!tpu.dma_semaphore, #tpu.memory_space<semaphore_mem>>)
    %dma_wait3A = arith.constant 0 : i32
    %dma_wait3A_5 = arith.constant 0 : i32
    %dma_wait3A_6 = tpu.memref_slice %arg4[%dma_wait3A, %dma_wait3A_5] : memref<4x2048xf32, #tpu.memory_space<hbm>> -> memref<4x2048xf32, #tpu.memory_space<hbm>>
    tpu.wait_indirect_dma semaphore(%arg16 : memref<!tpu.dma_semaphore, #tpu.memory_space<semaphore_mem>>) src(%dma_wait3A_6 : memref<4x2048xf32, #tpu.memory_space<hbm>>) dst(%arg10 : memref<1x2048xf32, #tpu.memory_space<vmem>>)
    %add3A_7 = arith.constant 0 : i32
    %add3A_8 = arith.addi %mul3A_2, %add3A_7 : i32
    %dma_start3A_9 = arith.constant 0 : i32
    %dma_start3A_10 = tpu.memref_slice %arg2[%add3A_8, %dma_start3A_9] : memref<16384x2048xf32, #tpu.memory_space<hbm>> -> memref<8x2048xf32, #tpu.memory_space<hbm>>
    %dma_start3A_11 = arith.constant 0 : i32
    %dma_start3A_12 = tpu.memref_slice %arg2[%add3A_8, %dma_start3A_11] : memref<16384x2048xf32, #tpu.memory_space<hbm>> -> memref<8x2048xf32, #tpu.memory_space<hbm>>
    tpu.enqueue_dma source(%dma_start3A_12 : memref<8x2048xf32, #tpu.memory_space<hbm>>) target(%arg6 : memref<8x2048xf32, #tpu.memory_space<vmem>>) target_semaphore(%arg12 : memref<!tpu.dma_semaphore, #tpu.memory_space<semaphore_mem>>)
    %add3A_13 = arith.constant 8 : i32
    %add3A_14 = arith.addi %mul3A_2, %add3A_13 : i32
    %dma_start3A_15 = arith.constant 0 : i32
    %dma_start3A_16 = tpu.memref_slice %arg2[%add3A_14, %dma_start3A_15] : memref<16384x2048xf32, #tpu.memory_space<hbm>> -> memref<8x2048xf32, #tpu.memory_space<hbm>>
    %dma_start3A_17 = arith.constant 0 : i32
    %dma_start3A_18 = tpu.memref_slice %arg2[%add3A_14, %dma_start3A_17] : memref<16384x2048xf32, #tpu.memory_space<hbm>> -> memref<8x2048xf32, #tpu.memory_space<hbm>>
    tpu.enqueue_dma source(%dma_start3A_18 : memref<8x2048xf32, #tpu.memory_space<hbm>>) target(%arg7 : memref<8x2048xf32, #tpu.memory_space<vmem>>) target_semaphore(%arg13 : memref<!tpu.dma_semaphore, #tpu.memory_space<semaphore_mem>>)
    %scan3A = arith.constant 0 : i32
    %scan3A_19 = arith.constant 0 : i32
    %scan3A_20 = arith.constant 16 : i32
    %scan3A_21 = arith.addi %scan3A_19, %scan3A_20 : i32
    %scan3A_22 = arith.constant 1 : i32
    %scan3A_23 = scf.for %scan3A_49 = %scan3A_19 to %scan3A_21 step %scan3A_22 iter_args(%scan3A_50 = %scan3A) -> (i32)  : i32 {
      %mul3A_51 = arith.constant 4 : i32
      %mul3A_52 = arith.muli %scan3A_49, %mul3A_51 : i32
      %add3A_53 = arith.constant 0 : i32
      %add3A_54 = arith.addi %mul3A_52, %add3A_53 : i32
      %add3A_55 = arith.constant 2 : i32
      %add3A_56 = arith.addi %add3A_54, %add3A_55 : i32
      %lt3A = arith.constant 64 : i32
      %lt3A_57 = arith.cmpi slt, %add3A_56, %lt3A : i32
      %convert_element_type3A = arith.extui %lt3A_57 : i1 to i32
      %cond3A = arith.constant 0 : i32
      %cond3A_58 = arith.cmpi ne, %convert_element_type3A, %cond3A : i32
      scf.if %cond3A_58 {
        %ge3A = arith.constant 4 : i32
        %ge3A_167 = arith.cmpi sge, %add3A_56, %ge3A : i32
        %convert_element_type3A_168 = arith.extui %ge3A_167 : i1 to i32
        %cond3A_169 = arith.constant 0 : i32
        %cond3A_170 = arith.cmpi ne, %convert_element_type3A_168, %cond3A_169 : i32
        scf.if %cond3A_170 {
          %dma_wait3A_178 = arith.constant 0 : i32
          %dma_wait3A_179 = arith.constant 0 : i32
          %dma_wait3A_180 = tpu.memref_slice %arg5[%dma_wait3A_178, %dma_wait3A_179] : memref<16384x2048xf32, #tpu.memory_space<hbm>> -> memref<8x2048xf32, #tpu.memory_space<hbm>>
          %dma_wait3A_181 = arith.constant 0 : i32
          %dma_wait3A_182 = arith.constant 0 : i32
          %dma_wait3A_183 = tpu.memref_slice %arg5[%dma_wait3A_181, %dma_wait3A_182] : memref<16384x2048xf32, #tpu.memory_space<hbm>> -> memref<8x2048xf32, #tpu.memory_space<hbm>>
          tpu.wait_dma2 semaphore(%arg18 : memref<!tpu.dma_semaphore, #tpu.memory_space<semaphore_mem>>) src(%arg8 : memref<8x2048xf32, #tpu.memory_space<vmem>>) dst(%dma_wait3A_183 : memref<8x2048xf32, #tpu.memory_space<hbm>>)
        } else {
        }
        %mul3A_171 = arith.constant 8 : i32
        %mul3A_172 = arith.muli %add3A_56, %mul3A_171 : i32
        %add3A_173 = arith.addi %mul3A_2, %mul3A_172 : i32
        %dma_start3A_174 = arith.constant 0 : i32
        %dma_start3A_175 = tpu.memref_slice %arg2[%add3A_173, %dma_start3A_174] : memref<16384x2048xf32, #tpu.memory_space<hbm>> -> memref<8x2048xf32, #tpu.memory_space<hbm>>
        %dma_start3A_176 = arith.constant 0 : i32
        %dma_start3A_177 = tpu.memref_slice %arg2[%add3A_173, %dma_start3A_176] : memref<16384x2048xf32, #tpu.memory_space<hbm>> -> memref<8x2048xf32, #tpu.memory_space<hbm>>
        tpu.enqueue_dma source(%dma_start3A_177 : memref<8x2048xf32, #tpu.memory_space<hbm>>) target(%arg8 : memref<8x2048xf32, #tpu.memory_space<vmem>>) target_semaphore(%arg14 : memref<!tpu.dma_semaphore, #tpu.memory_space<semaphore_mem>>)
      } else {
      }
      %dma_wait3A_59 = arith.constant 0 : i32
      %dma_wait3A_60 = arith.constant 0 : i32
      %dma_wait3A_61 = tpu.memref_slice %arg2[%dma_wait3A_59, %dma_wait3A_60] : memref<16384x2048xf32, #tpu.memory_space<hbm>> -> memref<8x2048xf32, #tpu.memory_space<hbm>>
      %dma_wait3A_62 = arith.constant 0 : i32
      %dma_wait3A_63 = arith.constant 0 : i32
      %dma_wait3A_64 = tpu.memref_slice %arg2[%dma_wait3A_62, %dma_wait3A_63] : memref<16384x2048xf32, #tpu.memory_space<hbm>> -> memref<8x2048xf32, #tpu.memory_space<hbm>>
      tpu.wait_dma2 semaphore(%arg12 : memref<!tpu.dma_semaphore, #tpu.memory_space<semaphore_mem>>) src(%dma_wait3A_64 : memref<8x2048xf32, #tpu.memory_space<hbm>>) dst(%arg6 : memref<8x2048xf32, #tpu.memory_space<vmem>>)
      %scan3A_65 = arith.constant 0 : i32
      %scan3A_66 = arith.constant 0 : i32
      %scan3A_67 = arith.constant 128 : i32
      %scan3A_68 = arith.addi %scan3A_66, %scan3A_67 : i32
      %scan3A_69 = arith.constant 1 : i32
      %scan3A_70 = scf.for %scan3A_167 = %scan3A_66 to %scan3A_68 step %scan3A_69 iter_args(%scan3A_168 = %scan3A_65) -> (i32)  : i32 {
        %mul3A_169 = arith.constant 16 : i32
        %mul3A_170 = arith.muli %scan3A_167, %mul3A_169 : i32
        %multiple_of3A = tpu.assume_multiple %mul3A_170, 16 : i32
        %get3A = arith.constant 0 : i32
        %get3A_171 = arith.index_cast %get3A : i32 to index
        %get3A_172 = arith.index_cast %multiple_of3A : i32 to index
        %get3A_173 = tpu.vector_load %arg10[%get3A_171, %get3A_172] {strides = array<i32>} : memref<1x2048xf32, #tpu.memory_space<vmem>>, vector<1x16xf32>,
        %get3A_174 = vector.shape_cast %get3A_173 : vector<1x16xf32> to vector<16xf32>
        %swap3A = arith.constant 0 : i32
        %swap3A_175 = arith.index_cast %swap3A : i32 to index
        %swap3A_176 = arith.index_cast %multiple_of3A : i32 to index
        %swap3A_177 = tpu.vector_load %arg6[%swap3A_175, %swap3A_176] {strides = array<i32>} : memref<8x2048xf32, #tpu.memory_space<vmem>>, vector<1x16xf32>,
        %swap3A_178 = vector.shape_cast %swap3A_177 : vector<1x16xf32> to vector<16xf32>
        %swap3A_179 = vector.shape_cast %get3A_174 : vector<16xf32> to vector<1x16xf32>
        tpu.vector_store %arg6[%swap3A_175, %swap3A_176], %swap3A_179 {add = true, strides = array<i32>} : memref<8x2048xf32, #tpu.memory_space<vmem>>, vector<1x16xf32>,
        %swap3A_180 = arith.constant 1 : i32
        %swap3A_181 = arith.index_cast %swap3A_180 : i32 to index
        %swap3A_182 = arith.index_cast %multiple_of3A : i32 to index
        %swap3A_183 = tpu.vector_load %arg6[%swap3A_181, %swap3A_182] {strides = array<i32>} : memref<8x2048xf32, #tpu.memory_space<vmem>>, vector<1x16xf32>,
        %swap3A_184 = vector.shape_cast %swap3A_183 : vector<1x16xf32> to vector<16xf32>
        %swap3A_185 = vector.shape_cast %get3A_174 : vector<16xf32> to vector<1x16xf32>
        tpu.vector_store %arg6[%swap3A_181, %swap3A_182], %swap3A_185 {add = true, strides = array<i32>} : memref<8x2048xf32, #tpu.memory_space<vmem>>, vector<1x16xf32>,
        %swap3A_186 = arith.constant 2 : i32
        %swap3A_187 = arith.index_cast %swap3A_186 : i32 to index
        %swap3A_188 = arith.index_cast %multiple_of3A : i32 to index
        %swap3A_189 = tpu.vector_load %arg6[%swap3A_187, %swap3A_188] {strides = array<i32>} : memref<8x2048xf32, #tpu.memory_space<vmem>>, vector<1x16xf32>,
        %swap3A_190 = vector.shape_cast %swap3A_189 : vector<1x16xf32> to vector<16xf32>
        %swap3A_191 = vector.shape_cast %get3A_174 : vector<16xf32> to vector<1x16xf32>
        tpu.vector_store %arg6[%swap3A_187, %swap3A_188], %swap3A_191 {add = true, strides = array<i32>} : memref<8x2048xf32, #tpu.memory_space<vmem>>, vector<1x16xf32>,
        %swap3A_192 = arith.constant 3 : i32
        %swap3A_193 = arith.index_cast %swap3A_192 : i32 to index
        %swap3A_194 = arith.index_cast %multiple_of3A : i32 to index
        %swap3A_195 = tpu.vector_load %arg6[%swap3A_193, %swap3A_194] {strides = array<i32>} : memref<8x2048xf32, #tpu.memory_space<vmem>>, vector<1x16xf32>,
        %swap3A_196 = vector.shape_cast %swap3A_195 : vector<1x16xf32> to vector<16xf32>
        %swap3A_197 = vector.shape_cast %get3A_174 : vector<16xf32> to vector<1x16xf32>
        tpu.vector_store %arg6[%swap3A_193, %swap3A_194], %swap3A_197 {add = true, strides = array<i32>} : memref<8x2048xf32, #tpu.memory_space<vmem>>, vector<1x16xf32>,
        %swap3A_198 = arith.constant 4 : i32
        %swap3A_199 = arith.index_cast %swap3A_198 : i32 to index
        %swap3A_200 = arith.index_cast %multiple_of3A : i32 to index
        %swap3A_201 = tpu.vector_load %arg6[%swap3A_199, %swap3A_200] {strides = array<i32>} : memref<8x2048xf32, #tpu.memory_space<vmem>>, vector<1x16xf32>,
        %swap3A_202 = vector.shape_cast %swap3A_201 : vector<1x16xf32> to vector<16xf32>
        %swap3A_203 = vector.shape_cast %get3A_174 : vector<16xf32> to vector<1x16xf32>
        tpu.vector_store %arg6[%swap3A_199, %swap3A_200], %swap3A_203 {add = true, strides = array<i32>} : memref<8x2048xf32, #tpu.memory_space<vmem>>, vector<1x16xf32>,
        %swap3A_204 = arith.constant 5 : i32
        %swap3A_205 = arith.index_cast %swap3A_204 : i32 to index
        %swap3A_206 = arith.index_cast %multiple_of3A : i32 to index
        %swap3A_207 = tpu.vector_load %arg6[%swap3A_205, %swap3A_206] {strides = array<i32>} : memref<8x2048xf32, #tpu.memory_space<vmem>>, vector<1x16xf32>,
        %swap3A_208 = vector.shape_cast %swap3A_207 : vector<1x16xf32> to vector<16xf32>
        %swap3A_209 = vector.shape_cast %get3A_174 : vector<16xf32> to vector<1x16xf32>
        tpu.vector_store %arg6[%swap3A_205, %swap3A_206], %swap3A_209 {add = true, strides = array<i32>} : memref<8x2048xf32, #tpu.memory_space<vmem>>, vector<1x16xf32>,
        %swap3A_210 = arith.constant 6 : i32
        %swap3A_211 = arith.index_cast %swap3A_210 : i32 to index
        %swap3A_212 = arith.index_cast %multiple_of3A : i32 to index
        %swap3A_213 = tpu.vector_load %arg6[%swap3A_211, %swap3A_212] {strides = array<i32>} : memref<8x2048xf32, #tpu.memory_space<vmem>>, vector<1x16xf32>,
        %swap3A_214 = vector.shape_cast %swap3A_213 : vector<1x16xf32> to vector<16xf32>
        %swap3A_215 = vector.shape_cast %get3A_174 : vector<16xf32> to vector<1x16xf32>
        tpu.vector_store %arg6[%swap3A_211, %swap3A_212], %swap3A_215 {add = true, strides = array<i32>} : memref<8x2048xf32, #tpu.memory_space<vmem>>, vector<1x16xf32>,
        %swap3A_216 = arith.constant 7 : i32
        %swap3A_217 = arith.index_cast %swap3A_216 : i32 to index
        %swap3A_218 = arith.index_cast %multiple_of3A : i32 to index
        %swap3A_219 = tpu.vector_load %arg6[%swap3A_217, %swap3A_218] {strides = array<i32>} : memref<8x2048xf32, #tpu.memory_space<vmem>>, vector<1x16xf32>,
        %swap3A_220 = vector.shape_cast %swap3A_219 : vector<1x16xf32> to vector<16xf32>
        %swap3A_221 = vector.shape_cast %get3A_174 : vector<16xf32> to vector<1x16xf32>
        tpu.vector_store %arg6[%swap3A_217, %swap3A_218], %swap3A_221 {add = true, strides = array<i32>} : memref<8x2048xf32, #tpu.memory_space<vmem>>, vector<1x16xf32>,
        %scan3A_222 = arith.constant 0 : i32
        scf.yield %scan3A_222 : i32
      }
      %scan3A_71 = arith.constant 128 : i32
      %mul3A_72 = arith.constant 8 : i32
      %mul3A_73 = arith.muli %add3A_54, %mul3A_72 : i32
      %add3A_74 = arith.addi %mul3A_2, %mul3A_73 : i32
      %dma_start3A_75 = arith.constant 0 : i32
      %dma_start3A_76 = tpu.memref_slice %arg5[%add3A_74, %dma_start3A_75] : memref<16384x2048xf32, #tpu.memory_space<hbm>> -> memref<8x2048xf32, #tpu.memory_space<hbm>>
      %dma_start3A_77 = arith.constant 0 : i32
      %dma_start3A_78 = tpu.memref_slice %arg5[%add3A_74, %dma_start3A_77] : memref<16384x2048xf32, #tpu.memory_space<hbm>> -> memref<8x2048xf32, #tpu.memory_space<hbm>>
      tpu.enqueue_dma source(%arg6 : memref<8x2048xf32, #tpu.memory_space<vmem>>) target(%dma_start3A_78 : memref<8x2048xf32, #tpu.memory_space<hbm>>) target_semaphore(%arg16 : memref<!tpu.dma_semaphore, #tpu.memory_space<semaphore_mem>>)
      %add3A_79 = arith.constant 1 : i32
      %add3A_80 = arith.addi %mul3A_52, %add3A_79 : i32
      %add3A_81 = arith.constant 2 : i32
      %add3A_82 = arith.addi %add3A_80, %add3A_81 : i32
      %lt3A_83 = arith.constant 64 : i32
      %lt3A_84 = arith.cmpi slt, %add3A_82, %lt3A_83 : i32
      %convert_element_type3A_85 = arith.extui %lt3A_84 : i1 to i32
      %cond3A_86 = arith.constant 0 : i32
      %cond3A_87 = arith.cmpi ne, %convert_element_type3A_85, %cond3A_86 : i32
      scf.if %cond3A_87 {
        %ge3A = arith.constant 4 : i32
        %ge3A_167 = arith.cmpi sge, %add3A_82, %ge3A : i32
        %convert_element_type3A_168 = arith.extui %ge3A_167 : i1 to i32
        %cond3A_169 = arith.constant 0 : i32
        %cond3A_170 = arith.cmpi ne, %convert_element_type3A_168, %cond3A_169 : i32
        scf.if %cond3A_170 {
          %dma_wait3A_178 = arith.constant 0 : i32
          %dma_wait3A_179 = arith.constant 0 : i32
          %dma_wait3A_180 = tpu.memref_slice %arg5[%dma_wait3A_178, %dma_wait3A_179] : memref<16384x2048xf32, #tpu.memory_space<hbm>> -> memref<8x2048xf32, #tpu.memory_space<hbm>>
          %dma_wait3A_181 = arith.constant 0 : i32
          %dma_wait3A_182 = arith.constant 0 : i32
          %dma_wait3A_183 = tpu.memref_slice %arg5[%dma_wait3A_181, %dma_wait3A_182] : memref<16384x2048xf32, #tpu.memory_space<hbm>> -> memref<8x2048xf32, #tpu.memory_space<hbm>>
          tpu.wait_dma2 semaphore(%arg19 : memref<!tpu.dma_semaphore, #tpu.memory_space<semaphore_mem>>) src(%arg9 : memref<8x2048xf32, #tpu.memory_space<vmem>>) dst(%dma_wait3A_183 : memref<8x2048xf32, #tpu.memory_space<hbm>>)
        } else {
        }
        %mul3A_171 = arith.constant 8 : i32
        %mul3A_172 = arith.muli %add3A_82, %mul3A_171 : i32
        %add3A_173 = arith.addi %mul3A_2, %mul3A_172 : i32
        %dma_start3A_174 = arith.constant 0 : i32
        %dma_start3A_175 = tpu.memref_slice %arg2[%add3A_173, %dma_start3A_174] : memref<16384x2048xf32, #tpu.memory_space<hbm>> -> memref<8x2048xf32, #tpu.memory_space<hbm>>
        %dma_start3A_176 = arith.constant 0 : i32
        %dma_start3A_177 = tpu.memref_slice %arg2[%add3A_173, %dma_start3A_176] : memref<16384x2048xf32, #tpu.memory_space<hbm>> -> memref<8x2048xf32, #tpu.memory_space<hbm>>
        tpu.enqueue_dma source(%dma_start3A_177 : memref<8x2048xf32, #tpu.memory_space<hbm>>) target(%arg9 : memref<8x2048xf32, #tpu.memory_space<vmem>>) target_semaphore(%arg15 : memref<!tpu.dma_semaphore, #tpu.memory_space<semaphore_mem>>)
      } else {
      }
      %dma_wait3A_88 = arith.constant 0 : i32
      %dma_wait3A_89 = arith.constant 0 : i32
      %dma_wait3A_90 = tpu.memref_slice %arg2[%dma_wait3A_88, %dma_wait3A_89] : memref<16384x2048xf32, #tpu.memory_space<hbm>> -> memref<8x2048xf32, #tpu.memory_space<hbm>>
      %dma_wait3A_91 = arith.constant 0 : i32
      %dma_wait3A_92 = arith.constant 0 : i32
      %dma_wait3A_93 = tpu.memref_slice %arg2[%dma_wait3A_91, %dma_wait3A_92] : memref<16384x2048xf32, #tpu.memory_space<hbm>> -> memref<8x2048xf32, #tpu.memory_space<hbm>>
      tpu.wait_dma2 semaphore(%arg13 : memref<!tpu.dma_semaphore, #tpu.memory_space<semaphore_mem>>) src(%dma_wait3A_93 : memref<8x2048xf32, #tpu.memory_space<hbm>>) dst(%arg7 : memref<8x2048xf32, #tpu.memory_space<vmem>>)
      %scan3A_94 = arith.constant 0 : i32
      %scan3A_95 = arith.constant 0 : i32
      %scan3A_96 = arith.constant 128 : i32
      %scan3A_97 = arith.addi %scan3A_95, %scan3A_96 : i32
      %scan3A_98 = arith.constant 1 : i32
      %scan3A_99 = scf.for %scan3A_167 = %scan3A_95 to %scan3A_97 step %scan3A_98 iter_args(%scan3A_168 = %scan3A_94) -> (i32)  : i32 {
        %mul3A_169 = arith.constant 16 : i32
        %mul3A_170 = arith.muli %scan3A_167, %mul3A_169 : i32
        %multiple_of3A = tpu.assume_multiple %mul3A_170, 16 : i32
        %get3A = arith.constant 0 : i32
        %get3A_171 = arith.index_cast %get3A : i32 to index
        %get3A_172 = arith.index_cast %multiple_of3A : i32 to index
        %get3A_173 = tpu.vector_load %arg10[%get3A_171, %get3A_172] {strides = array<i32>} : memref<1x2048xf32, #tpu.memory_space<vmem>>, vector<1x16xf32>,
        %get3A_174 = vector.shape_cast %get3A_173 : vector<1x16xf32> to vector<16xf32>
        %swap3A = arith.constant 0 : i32
        %swap3A_175 = arith.index_cast %swap3A : i32 to index
        %swap3A_176 = arith.index_cast %multiple_of3A : i32 to index
        %swap3A_177 = tpu.vector_load %arg7[%swap3A_175, %swap3A_176] {strides = array<i32>} : memref<8x2048xf32, #tpu.memory_space<vmem>>, vector<1x16xf32>,
        %swap3A_178 = vector.shape_cast %swap3A_177 : vector<1x16xf32> to vector<16xf32>
        %swap3A_179 = vector.shape_cast %get3A_174 : vector<16xf32> to vector<1x16xf32>
        tpu.vector_store %arg7[%swap3A_175, %swap3A_176], %swap3A_179 {add = true, strides = array<i32>} : memref<8x2048xf32, #tpu.memory_space<vmem>>, vector<1x16xf32>,
        %swap3A_180 = arith.constant 1 : i32
        %swap3A_181 = arith.index_cast %swap3A_180 : i32 to index
        %swap3A_182 = arith.index_cast %multiple_of3A : i32 to index
        %swap3A_183 = tpu.vector_load %arg7[%swap3A_181, %swap3A_182] {strides = array<i32>} : memref<8x2048xf32, #tpu.memory_space<vmem>>, vector<1x16xf32>,
        %swap3A_184 = vector.shape_cast %swap3A_183 : vector<1x16xf32> to vector<16xf32>
        %swap3A_185 = vector.shape_cast %get3A_174 : vector<16xf32> to vector<1x16xf32>
        tpu.vector_store %arg7[%swap3A_181, %swap3A_182], %swap3A_185 {add = true, strides = array<i32>} : memref<8x2048xf32, #tpu.memory_space<vmem>>, vector<1x16xf32>,
        %swap3A_186 = arith.constant 2 : i32
        %swap3A_187 = arith.index_cast %swap3A_186 : i32 to index
        %swap3A_188 = arith.index_cast %multiple_of3A : i32 to index
        %swap3A_189 = tpu.vector_load %arg7[%swap3A_187, %swap3A_188] {strides = array<i32>} : memref<8x2048xf32, #tpu.memory_space<vmem>>, vector<1x16xf32>,
        %swap3A_190 = vector.shape_cast %swap3A_189 : vector<1x16xf32> to vector<16xf32>
        %swap3A_191 = vector.shape_cast %get3A_174 : vector<16xf32> to vector<1x16xf32>
        tpu.vector_store %arg7[%swap3A_187, %swap3A_188], %swap3A_191 {add = true, strides = array<i32>} : memref<8x2048xf32, #tpu.memory_space<vmem>>, vector<1x16xf32>,
        %swap3A_192 = arith.constant 3 : i32
        %swap3A_193 = arith.index_cast %swap3A_192 : i32 to index
        %swap3A_194 = arith.index_cast %multiple_of3A : i32 to index
        %swap3A_195 = tpu.vector_load %arg7[%swap3A_193, %swap3A_194] {strides = array<i32>} : memref<8x2048xf32, #tpu.memory_space<vmem>>, vector<1x16xf32>,
        %swap3A_196 = vector.shape_cast %swap3A_195 : vector<1x16xf32> to vector<16xf32>
        %swap3A_197 = vector.shape_cast %get3A_174 : vector<16xf32> to vector<1x16xf32>
        tpu.vector_store %arg7[%swap3A_193, %swap3A_194], %swap3A_197 {add = true, strides = array<i32>} : memref<8x2048xf32, #tpu.memory_space<vmem>>, vector<1x16xf32>,
        %swap3A_198 = arith.constant 4 : i32
        %swap3A_199 = arith.index_cast %swap3A_198 : i32 to index
        %swap3A_200 = arith.index_cast %multiple_of3A : i32 to index
        %swap3A_201 = tpu.vector_load %arg7[%swap3A_199, %swap3A_200] {strides = array<i32>} : memref<8x2048xf32, #tpu.memory_space<vmem>>, vector<1x16xf32>,
        %swap3A_202 = vector.shape_cast %swap3A_201 : vector<1x16xf32> to vector<16xf32>
        %swap3A_203 = vector.shape_cast %get3A_174 : vector<16xf32> to vector<1x16xf32>
        tpu.vector_store %arg7[%swap3A_199, %swap3A_200], %swap3A_203 {add = true, strides = array<i32>} : memref<8x2048xf32, #tpu.memory_space<vmem>>, vector<1x16xf32>,
        %swap3A_204 = arith.constant 5 : i32
        %swap3A_205 = arith.index_cast %swap3A_204 : i32 to index
        %swap3A_206 = arith.index_cast %multiple_of3A : i32 to index
        %swap3A_207 = tpu.vector_load %arg7[%swap3A_205, %swap3A_206] {strides = array<i32>} : memref<8x2048xf32, #tpu.memory_space<vmem>>, vector<1x16xf32>,
        %swap3A_208 = vector.shape_cast %swap3A_207 : vector<1x16xf32> to vector<16xf32>
        %swap3A_209 = vector.shape_cast %get3A_174 : vector<16xf32> to vector<1x16xf32>
        tpu.vector_store %arg7[%swap3A_205, %swap3A_206], %swap3A_209 {add = true, strides = array<i32>} : memref<8x2048xf32, #tpu.memory_space<vmem>>, vector<1x16xf32>,
        %swap3A_210 = arith.constant 6 : i32
        %swap3A_211 = arith.index_cast %swap3A_210 : i32 to index
        %swap3A_212 = arith.index_cast %multiple_of3A : i32 to index
        %swap3A_213 = tpu.vector_load %arg7[%swap3A_211, %swap3A_212] {strides = array<i32>} : memref<8x2048xf32, #tpu.memory_space<vmem>>, vector<1x16xf32>,
        %swap3A_214 = vector.shape_cast %swap3A_213 : vector<1x16xf32> to vector<16xf32>
        %swap3A_215 = vector.shape_cast %get3A_174 : vector<16xf32> to vector<1x16xf32>
        tpu.vector_store %arg7[%swap3A_211, %swap3A_212], %swap3A_215 {add = true, strides = array<i32>} : memref<8x2048xf32, #tpu.memory_space<vmem>>, vector<1x16xf32>,
        %swap3A_216 = arith.constant 7 : i32
        %swap3A_217 = arith.index_cast %swap3A_216 : i32 to index
        %swap3A_218 = arith.index_cast %multiple_of3A : i32 to index
        %swap3A_219 = tpu.vector_load %arg7[%swap3A_217, %swap3A_218] {strides = array<i32>} : memref<8x2048xf32, #tpu.memory_space<vmem>>, vector<1x16xf32>,
        %swap3A_220 = vector.shape_cast %swap3A_219 : vector<1x16xf32> to vector<16xf32>
        %swap3A_221 = vector.shape_cast %get3A_174 : vector<16xf32> to vector<1x16xf32>
        tpu.vector_store %arg7[%swap3A_217, %swap3A_218], %swap3A_221 {add = true, strides = array<i32>} : memref<8x2048xf32, #tpu.memory_space<vmem>>, vector<1x16xf32>,
        %scan3A_222 = arith.constant 0 : i32
        scf.yield %scan3A_222 : i32
      }
      %scan3A_100 = arith.constant 128 : i32
      %mul3A_101 = arith.constant 8 : i32
      %mul3A_102 = arith.muli %add3A_80, %mul3A_101 : i32
      %add3A_103 = arith.addi %mul3A_2, %mul3A_102 : i32
      %dma_start3A_104 = arith.constant 0 : i32
      %dma_start3A_105 = tpu.memref_slice %arg5[%add3A_103, %dma_start3A_104] : memref<16384x2048xf32, #tpu.memory_space<hbm>> -> memref<8x2048xf32, #tpu.memory_space<hbm>>
      %dma_start3A_106 = arith.constant 0 : i32
      %dma_start3A_107 = tpu.memref_slice %arg5[%add3A_103, %dma_start3A_106] : memref<16384x2048xf32, #tpu.memory_space<hbm>> -> memref<8x2048xf32, #tpu.memory_space<hbm>>
      tpu.enqueue_dma source(%arg7 : memref<8x2048xf32, #tpu.memory_space<vmem>>) target(%dma_start3A_107 : memref<8x2048xf32, #tpu.memory_space<hbm>>) target_semaphore(%arg17 : memref<!tpu.dma_semaphore, #tpu.memory_space<semaphore_mem>>)
      %add3A_108 = arith.constant 2 : i32
      %add3A_109 = arith.addi %mul3A_52, %add3A_108 : i32
      %add3A_110 = arith.constant 2 : i32
      %add3A_111 = arith.addi %add3A_109, %add3A_110 : i32
      %lt3A_112 = arith.constant 64 : i32
      %lt3A_113 = arith.cmpi slt, %add3A_111, %lt3A_112 : i32
      %convert_element_type3A_114 = arith.extui %lt3A_113 : i1 to i32
      %cond3A_115 = arith.constant 0 : i32
      %cond3A_116 = arith.cmpi ne, %convert_element_type3A_114, %cond3A_115 : i32
      scf.if %cond3A_116 {
        %ge3A = arith.constant 4 : i32
        %ge3A_167 = arith.cmpi sge, %add3A_111, %ge3A : i32
        %convert_element_type3A_168 = arith.extui %ge3A_167 : i1 to i32
        %cond3A_169 = arith.constant 0 : i32
        %cond3A_170 = arith.cmpi ne, %convert_element_type3A_168, %cond3A_169 : i32
        scf.if %cond3A_170 {
          %dma_wait3A_178 = arith.constant 0 : i32
          %dma_wait3A_179 = arith.constant 0 : i32
          %dma_wait3A_180 = tpu.memref_slice %arg5[%dma_wait3A_178, %dma_wait3A_179] : memref<16384x2048xf32, #tpu.memory_space<hbm>> -> memref<8x2048xf32, #tpu.memory_space<hbm>>
          %dma_wait3A_181 = arith.constant 0 : i32
          %dma_wait3A_182 = arith.constant 0 : i32
          %dma_wait3A_183 = tpu.memref_slice %arg5[%dma_wait3A_181, %dma_wait3A_182] : memref<16384x2048xf32, #tpu.memory_space<hbm>> -> memref<8x2048xf32, #tpu.memory_space<hbm>>
          tpu.wait_dma2 semaphore(%arg16 : memref<!tpu.dma_semaphore, #tpu.memory_space<semaphore_mem>>) src(%arg6 : memref<8x2048xf32, #tpu.memory_space<vmem>>) dst(%dma_wait3A_183 : memref<8x2048xf32, #tpu.memory_space<hbm>>)
        } else {
        }
        %mul3A_171 = arith.constant 8 : i32
        %mul3A_172 = arith.muli %add3A_111, %mul3A_171 : i32
        %add3A_173 = arith.addi %mul3A_2, %mul3A_172 : i32
        %dma_start3A_174 = arith.constant 0 : i32
        %dma_start3A_175 = tpu.memref_slice %arg2[%add3A_173, %dma_start3A_174] : memref<16384x2048xf32, #tpu.memory_space<hbm>> -> memref<8x2048xf32, #tpu.memory_space<hbm>>
        %dma_start3A_176 = arith.constant 0 : i32
        %dma_start3A_177 = tpu.memref_slice %arg2[%add3A_173, %dma_start3A_176] : memref<16384x2048xf32, #tpu.memory_space<hbm>> -> memref<8x2048xf32, #tpu.memory_space<hbm>>
        tpu.enqueue_dma source(%dma_start3A_177 : memref<8x2048xf32, #tpu.memory_space<hbm>>) target(%arg6 : memref<8x2048xf32, #tpu.memory_space<vmem>>) target_semaphore(%arg12 : memref<!tpu.dma_semaphore, #tpu.memory_space<semaphore_mem>>)
      } else {
      }
      %dma_wait3A_117 = arith.constant 0 : i32
      %dma_wait3A_118 = arith.constant 0 : i32
      %dma_wait3A_119 = tpu.memref_slice %arg2[%dma_wait3A_117, %dma_wait3A_118] : memref<16384x2048xf32, #tpu.memory_space<hbm>> -> memref<8x2048xf32, #tpu.memory_space<hbm>>
      %dma_wait3A_120 = arith.constant 0 : i32
      %dma_wait3A_121 = arith.constant 0 : i32
      %dma_wait3A_122 = tpu.memref_slice %arg2[%dma_wait3A_120, %dma_wait3A_121] : memref<16384x2048xf32, #tpu.memory_space<hbm>> -> memref<8x2048xf32, #tpu.memory_space<hbm>>
      tpu.wait_dma2 semaphore(%arg14 : memref<!tpu.dma_semaphore, #tpu.memory_space<semaphore_mem>>) src(%dma_wait3A_122 : memref<8x2048xf32, #tpu.memory_space<hbm>>) dst(%arg8 : memref<8x2048xf32, #tpu.memory_space<vmem>>)
      %scan3A_123 = arith.constant 0 : i32
      %scan3A_124 = arith.constant 0 : i32
      %scan3A_125 = arith.constant 128 : i32
      %scan3A_126 = arith.addi %scan3A_124, %scan3A_125 : i32
      %scan3A_127 = arith.constant 1 : i32
      %scan3A_128 = scf.for %scan3A_167 = %scan3A_124 to %scan3A_126 step %scan3A_127 iter_args(%scan3A_168 = %scan3A_123) -> (i32)  : i32 {
        %mul3A_169 = arith.constant 16 : i32
        %mul3A_170 = arith.muli %scan3A_167, %mul3A_169 : i32
        %multiple_of3A = tpu.assume_multiple %mul3A_170, 16 : i32
        %get3A = arith.constant 0 : i32
        %get3A_171 = arith.index_cast %get3A : i32 to index
        %get3A_172 = arith.index_cast %multiple_of3A : i32 to index
        %get3A_173 = tpu.vector_load %arg10[%get3A_171, %get3A_172] {strides = array<i32>} : memref<1x2048xf32, #tpu.memory_space<vmem>>, vector<1x16xf32>,
        %get3A_174 = vector.shape_cast %get3A_173 : vector<1x16xf32> to vector<16xf32>
        %swap3A = arith.constant 0 : i32
        %swap3A_175 = arith.index_cast %swap3A : i32 to index
        %swap3A_176 = arith.index_cast %multiple_of3A : i32 to index
        %swap3A_177 = tpu.vector_load %arg8[%swap3A_175, %swap3A_176] {strides = array<i32>} : memref<8x2048xf32, #tpu.memory_space<vmem>>, vector<1x16xf32>,
        %swap3A_178 = vector.shape_cast %swap3A_177 : vector<1x16xf32> to vector<16xf32>
        %swap3A_179 = vector.shape_cast %get3A_174 : vector<16xf32> to vector<1x16xf32>
        tpu.vector_store %arg8[%swap3A_175, %swap3A_176], %swap3A_179 {add = true, strides = array<i32>} : memref<8x2048xf32, #tpu.memory_space<vmem>>, vector<1x16xf32>,
        %swap3A_180 = arith.constant 1 : i32
        %swap3A_181 = arith.index_cast %swap3A_180 : i32 to index
        %swap3A_182 = arith.index_cast %multiple_of3A : i32 to index
        %swap3A_183 = tpu.vector_load %arg8[%swap3A_181, %swap3A_182] {strides = array<i32>} : memref<8x2048xf32, #tpu.memory_space<vmem>>, vector<1x16xf32>,
        %swap3A_184 = vector.shape_cast %swap3A_183 : vector<1x16xf32> to vector<16xf32>
        %swap3A_185 = vector.shape_cast %get3A_174 : vector<16xf32> to vector<1x16xf32>
        tpu.vector_store %arg8[%swap3A_181, %swap3A_182], %swap3A_185 {add = true, strides = array<i32>} : memref<8x2048xf32, #tpu.memory_space<vmem>>, vector<1x16xf32>,
        %swap3A_186 = arith.constant 2 : i32
        %swap3A_187 = arith.index_cast %swap3A_186 : i32 to index
        %swap3A_188 = arith.index_cast %multiple_of3A : i32 to index
        %swap3A_189 = tpu.vector_load %arg8[%swap3A_187, %swap3A_188] {strides = array<i32>} : memref<8x2048xf32, #tpu.memory_space<vmem>>, vector<1x16xf32>,
        %swap3A_190 = vector.shape_cast %swap3A_189 : vector<1x16xf32> to vector<16xf32>
        %swap3A_191 = vector.shape_cast %get3A_174 : vector<16xf32> to vector<1x16xf32>
        tpu.vector_store %arg8[%swap3A_187, %swap3A_188], %swap3A_191 {add = true, strides = array<i32>} : memref<8x2048xf32, #tpu.memory_space<vmem>>, vector<1x16xf32>,
        %swap3A_192 = arith.constant 3 : i32
        %swap3A_193 = arith.index_cast %swap3A_192 : i32 to index
        %swap3A_194 = arith.index_cast %multiple_of3A : i32 to index
        %swap3A_195 = tpu.vector_load %arg8[%swap3A_193, %swap3A_194] {strides = array<i32>} : memref<8x2048xf32, #tpu.memory_space<vmem>>, vector<1x16xf32>,
        %swap3A_196 = vector.shape_cast %swap3A_195 : vector<1x16xf32> to vector<16xf32>
        %swap3A_197 = vector.shape_cast %get3A_174 : vector<16xf32> to vector<1x16xf32>
        tpu.vector_store %arg8[%swap3A_193, %swap3A_194], %swap3A_197 {add = true, strides = array<i32>} : memref<8x2048xf32, #tpu.memory_space<vmem>>, vector<1x16xf32>,
        %swap3A_198 = arith.constant 4 : i32
        %swap3A_199 = arith.index_cast %swap3A_198 : i32 to index
        %swap3A_200 = arith.index_cast %multiple_of3A : i32 to index
        %swap3A_201 = tpu.vector_load %arg8[%swap3A_199, %swap3A_200] {strides = array<i32>} : memref<8x2048xf32, #tpu.memory_space<vmem>>, vector<1x16xf32>,
        %swap3A_202 = vector.shape_cast %swap3A_201 : vector<1x16xf32> to vector<16xf32>
        %swap3A_203 = vector.shape_cast %get3A_174 : vector<16xf32> to vector<1x16xf32>
        tpu.vector_store %arg8[%swap3A_199, %swap3A_200], %swap3A_203 {add = true, strides = array<i32>} : memref<8x2048xf32, #tpu.memory_space<vmem>>, vector<1x16xf32>,
        %swap3A_204 = arith.constant 5 : i32
        %swap3A_205 = arith.index_cast %swap3A_204 : i32 to index
        %swap3A_206 = arith.index_cast %multiple_of3A : i32 to index
        %swap3A_207 = tpu.vector_load %arg8[%swap3A_205, %swap3A_206] {strides = array<i32>} : memref<8x2048xf32, #tpu.memory_space<vmem>>, vector<1x16xf32>,
        %swap3A_208 = vector.shape_cast %swap3A_207 : vector<1x16xf32> to vector<16xf32>
        %swap3A_209 = vector.shape_cast %get3A_174 : vector<16xf32> to vector<1x16xf32>
        tpu.vector_store %arg8[%swap3A_205, %swap3A_206], %swap3A_209 {add = true, strides = array<i32>} : memref<8x2048xf32, #tpu.memory_space<vmem>>, vector<1x16xf32>,
        %swap3A_210 = arith.constant 6 : i32
        %swap3A_211 = arith.index_cast %swap3A_210 : i32 to index
        %swap3A_212 = arith.index_cast %multiple_of3A : i32 to index
        %swap3A_213 = tpu.vector_load %arg8[%swap3A_211, %swap3A_212] {strides = array<i32>} : memref<8x2048xf32, #tpu.memory_space<vmem>>, vector<1x16xf32>,
        %swap3A_214 = vector.shape_cast %swap3A_213 : vector<1x16xf32> to vector<16xf32>
        %swap3A_215 = vector.shape_cast %get3A_174 : vector<16xf32> to vector<1x16xf32>
        tpu.vector_store %arg8[%swap3A_211, %swap3A_212], %swap3A_215 {add = true, strides = array<i32>} : memref<8x2048xf32, #tpu.memory_space<vmem>>, vector<1x16xf32>,
        %swap3A_216 = arith.constant 7 : i32
        %swap3A_217 = arith.index_cast %swap3A_216 : i32 to index
        %swap3A_218 = arith.index_cast %multiple_of3A : i32 to index
        %swap3A_219 = tpu.vector_load %arg8[%swap3A_217, %swap3A_218] {strides = array<i32>} : memref<8x2048xf32, #tpu.memory_space<vmem>>, vector<1x16xf32>,
        %swap3A_220 = vector.shape_cast %swap3A_219 : vector<1x16xf32> to vector<16xf32>
        %swap3A_221 = vector.shape_cast %get3A_174 : vector<16xf32> to vector<1x16xf32>
        tpu.vector_store %arg8[%swap3A_217, %swap3A_218], %swap3A_221 {add = true, strides = array<i32>} : memref<8x2048xf32, #tpu.memory_space<vmem>>, vector<1x16xf32>,
        %scan3A_222 = arith.constant 0 : i32
        scf.yield %scan3A_222 : i32
      }
      %scan3A_129 = arith.constant 128 : i32
      %mul3A_130 = arith.constant 8 : i32
      %mul3A_131 = arith.muli %add3A_109, %mul3A_130 : i32
      %add3A_132 = arith.addi %mul3A_2, %mul3A_131 : i32
      %dma_start3A_133 = arith.constant 0 : i32
      %dma_start3A_134 = tpu.memref_slice %arg5[%add3A_132, %dma_start3A_133] : memref<16384x2048xf32, #tpu.memory_space<hbm>> -> memref<8x2048xf32, #tpu.memory_space<hbm>>
      %dma_start3A_135 = arith.constant 0 : i32
      %dma_start3A_136 = tpu.memref_slice %arg5[%add3A_132, %dma_start3A_135] : memref<16384x2048xf32, #tpu.memory_space<hbm>> -> memref<8x2048xf32, #tpu.memory_space<hbm>>
      tpu.enqueue_dma source(%arg8 : memref<8x2048xf32, #tpu.memory_space<vmem>>) target(%dma_start3A_136 : memref<8x2048xf32, #tpu.memory_space<hbm>>) target_semaphore(%arg18 : memref<!tpu.dma_semaphore, #tpu.memory_space<semaphore_mem>>)
      %add3A_137 = arith.constant 3 : i32
      %add3A_138 = arith.addi %mul3A_52, %add3A_137 : i32
      %add3A_139 = arith.constant 2 : i32
      %add3A_140 = arith.addi %add3A_138, %add3A_139 : i32
      %lt3A_141 = arith.constant 64 : i32
      %lt3A_142 = arith.cmpi slt, %add3A_140, %lt3A_141 : i32
      %convert_element_type3A_143 = arith.extui %lt3A_142 : i1 to i32
      %cond3A_144 = arith.constant 0 : i32
      %cond3A_145 = arith.cmpi ne, %convert_element_type3A_143, %cond3A_144 : i32
      scf.if %cond3A_145 {
        %ge3A = arith.constant 4 : i32
        %ge3A_167 = arith.cmpi sge, %add3A_140, %ge3A : i32
        %convert_element_type3A_168 = arith.extui %ge3A_167 : i1 to i32
        %cond3A_169 = arith.constant 0 : i32
        %cond3A_170 = arith.cmpi ne, %convert_element_type3A_168, %cond3A_169 : i32
        scf.if %cond3A_170 {
          %dma_wait3A_178 = arith.constant 0 : i32
          %dma_wait3A_179 = arith.constant 0 : i32
          %dma_wait3A_180 = tpu.memref_slice %arg5[%dma_wait3A_178, %dma_wait3A_179] : memref<16384x2048xf32, #tpu.memory_space<hbm>> -> memref<8x2048xf32, #tpu.memory_space<hbm>>
          %dma_wait3A_181 = arith.constant 0 : i32
          %dma_wait3A_182 = arith.constant 0 : i32
          %dma_wait3A_183 = tpu.memref_slice %arg5[%dma_wait3A_181, %dma_wait3A_182] : memref<16384x2048xf32, #tpu.memory_space<hbm>> -> memref<8x2048xf32, #tpu.memory_space<hbm>>
          tpu.wait_dma2 semaphore(%arg17 : memref<!tpu.dma_semaphore, #tpu.memory_space<semaphore_mem>>) src(%arg7 : memref<8x2048xf32, #tpu.memory_space<vmem>>) dst(%dma_wait3A_183 : memref<8x2048xf32, #tpu.memory_space<hbm>>)
        } else {
        }
        %mul3A_171 = arith.constant 8 : i32
        %mul3A_172 = arith.muli %add3A_140, %mul3A_171 : i32
        %add3A_173 = arith.addi %mul3A_2, %mul3A_172 : i32
        %dma_start3A_174 = arith.constant 0 : i32
        %dma_start3A_175 = tpu.memref_slice %arg2[%add3A_173, %dma_start3A_174] : memref<16384x2048xf32, #tpu.memory_space<hbm>> -> memref<8x2048xf32, #tpu.memory_space<hbm>>
        %dma_start3A_176 = arith.constant 0 : i32
        %dma_start3A_177 = tpu.memref_slice %arg2[%add3A_173, %dma_start3A_176] : memref<16384x2048xf32, #tpu.memory_space<hbm>> -> memref<8x2048xf32, #tpu.memory_space<hbm>>
        tpu.enqueue_dma source(%dma_start3A_177 : memref<8x2048xf32, #tpu.memory_space<hbm>>) target(%arg7 : memref<8x2048xf32, #tpu.memory_space<vmem>>) target_semaphore(%arg13 : memref<!tpu.dma_semaphore, #tpu.memory_space<semaphore_mem>>)
      } else {
      }
      %dma_wait3A_146 = arith.constant 0 : i32
      %dma_wait3A_147 = arith.constant 0 : i32
      %dma_wait3A_148 = tpu.memref_slice %arg2[%dma_wait3A_146, %dma_wait3A_147] : memref<16384x2048xf32, #tpu.memory_space<hbm>> -> memref<8x2048xf32, #tpu.memory_space<hbm>>
      %dma_wait3A_149 = arith.constant 0 : i32
      %dma_wait3A_150 = arith.constant 0 : i32
      %dma_wait3A_151 = tpu.memref_slice %arg2[%dma_wait3A_149, %dma_wait3A_150] : memref<16384x2048xf32, #tpu.memory_space<hbm>> -> memref<8x2048xf32, #tpu.memory_space<hbm>>
      tpu.wait_dma2 semaphore(%arg15 : memref<!tpu.dma_semaphore, #tpu.memory_space<semaphore_mem>>) src(%dma_wait3A_151 : memref<8x2048xf32, #tpu.memory_space<hbm>>) dst(%arg9 : memref<8x2048xf32, #tpu.memory_space<vmem>>)
      %scan3A_152 = arith.constant 0 : i32
      %scan3A_153 = arith.constant 0 : i32
      %scan3A_154 = arith.constant 128 : i32
      %scan3A_155 = arith.addi %scan3A_153, %scan3A_154 : i32
      %scan3A_156 = arith.constant 1 : i32
      %scan3A_157 = scf.for %scan3A_167 = %scan3A_153 to %scan3A_155 step %scan3A_156 iter_args(%scan3A_168 = %scan3A_152) -> (i32)  : i32 {
        %mul3A_169 = arith.constant 16 : i32
        %mul3A_170 = arith.muli %scan3A_167, %mul3A_169 : i32
        %multiple_of3A = tpu.assume_multiple %mul3A_170, 16 : i32
        %get3A = arith.constant 0 : i32
        %get3A_171 = arith.index_cast %get3A : i32 to index
        %get3A_172 = arith.index_cast %multiple_of3A : i32 to index
        %get3A_173 = tpu.vector_load %arg10[%get3A_171, %get3A_172] {strides = array<i32>} : memref<1x2048xf32, #tpu.memory_space<vmem>>, vector<1x16xf32>,
        %get3A_174 = vector.shape_cast %get3A_173 : vector<1x16xf32> to vector<16xf32>
        %swap3A = arith.constant 0 : i32
        %swap3A_175 = arith.index_cast %swap3A : i32 to index
        %swap3A_176 = arith.index_cast %multiple_of3A : i32 to index
        %swap3A_177 = tpu.vector_load %arg9[%swap3A_175, %swap3A_176] {strides = array<i32>} : memref<8x2048xf32, #tpu.memory_space<vmem>>, vector<1x16xf32>,
        %swap3A_178 = vector.shape_cast %swap3A_177 : vector<1x16xf32> to vector<16xf32>
        %swap3A_179 = vector.shape_cast %get3A_174 : vector<16xf32> to vector<1x16xf32>
        tpu.vector_store %arg9[%swap3A_175, %swap3A_176], %swap3A_179 {add = true, strides = array<i32>} : memref<8x2048xf32, #tpu.memory_space<vmem>>, vector<1x16xf32>,
        %swap3A_180 = arith.constant 1 : i32
        %swap3A_181 = arith.index_cast %swap3A_180 : i32 to index
        %swap3A_182 = arith.index_cast %multiple_of3A : i32 to index
        %swap3A_183 = tpu.vector_load %arg9[%swap3A_181, %swap3A_182] {strides = array<i32>} : memref<8x2048xf32, #tpu.memory_space<vmem>>, vector<1x16xf32>,
        %swap3A_184 = vector.shape_cast %swap3A_183 : vector<1x16xf32> to vector<16xf32>
        %swap3A_185 = vector.shape_cast %get3A_174 : vector<16xf32> to vector<1x16xf32>
        tpu.vector_store %arg9[%swap3A_181, %swap3A_182], %swap3A_185 {add = true, strides = array<i32>} : memref<8x2048xf32, #tpu.memory_space<vmem>>, vector<1x16xf32>,
        %swap3A_186 = arith.constant 2 : i32
        %swap3A_187 = arith.index_cast %swap3A_186 : i32 to index
        %swap3A_188 = arith.index_cast %multiple_of3A : i32 to index
        %swap3A_189 = tpu.vector_load %arg9[%swap3A_187, %swap3A_188] {strides = array<i32>} : memref<8x2048xf32, #tpu.memory_space<vmem>>, vector<1x16xf32>,
        %swap3A_190 = vector.shape_cast %swap3A_189 : vector<1x16xf32> to vector<16xf32>
        %swap3A_191 = vector.shape_cast %get3A_174 : vector<16xf32> to vector<1x16xf32>
        tpu.vector_store %arg9[%swap3A_187, %swap3A_188], %swap3A_191 {add = true, strides = array<i32>} : memref<8x2048xf32, #tpu.memory_space<vmem>>, vector<1x16xf32>,
        %swap3A_192 = arith.constant 3 : i32
        %swap3A_193 = arith.index_cast %swap3A_192 : i32 to index
        %swap3A_194 = arith.index_cast %multiple_of3A : i32 to index
        %swap3A_195 = tpu.vector_load %arg9[%swap3A_193, %swap3A_194] {strides = array<i32>} : memref<8x2048xf32, #tpu.memory_space<vmem>>, vector<1x16xf32>,
        %swap3A_196 = vector.shape_cast %swap3A_195 : vector<1x16xf32> to vector<16xf32>
        %swap3A_197 = vector.shape_cast %get3A_174 : vector<16xf32> to vector<1x16xf32>
        tpu.vector_store %arg9[%swap3A_193, %swap3A_194], %swap3A_197 {add = true, strides = array<i32>} : memref<8x2048xf32, #tpu.memory_space<vmem>>, vector<1x16xf32>,
        %swap3A_198 = arith.constant 4 : i32
        %swap3A_199 = arith.index_cast %swap3A_198 : i32 to index
        %swap3A_200 = arith.index_cast %multiple_of3A : i32 to index
        %swap3A_201 = tpu.vector_load %arg9[%swap3A_199, %swap3A_200] {strides = array<i32>} : memref<8x2048xf32, #tpu.memory_space<vmem>>, vector<1x16xf32>,
        %swap3A_202 = vector.shape_cast %swap3A_201 : vector<1x16xf32> to vector<16xf32>
        %swap3A_203 = vector.shape_cast %get3A_174 : vector<16xf32> to vector<1x16xf32>
        tpu.vector_store %arg9[%swap3A_199, %swap3A_200], %swap3A_203 {add = true, strides = array<i32>} : memref<8x2048xf32, #tpu.memory_space<vmem>>, vector<1x16xf32>,
        %swap3A_204 = arith.constant 5 : i32
        %swap3A_205 = arith.index_cast %swap3A_204 : i32 to index
        %swap3A_206 = arith.index_cast %multiple_of3A : i32 to index
        %swap3A_207 = tpu.vector_load %arg9[%swap3A_205, %swap3A_206] {strides = array<i32>} : memref<8x2048xf32, #tpu.memory_space<vmem>>, vector<1x16xf32>,
        %swap3A_208 = vector.shape_cast %swap3A_207 : vector<1x16xf32> to vector<16xf32>
        %swap3A_209 = vector.shape_cast %get3A_174 : vector<16xf32> to vector<1x16xf32>
        tpu.vector_store %arg9[%swap3A_205, %swap3A_206], %swap3A_209 {add = true, strides = array<i32>} : memref<8x2048xf32, #tpu.memory_space<vmem>>, vector<1x16xf32>,
        %swap3A_210 = arith.constant 6 : i32
        %swap3A_211 = arith.index_cast %swap3A_210 : i32 to index
        %swap3A_212 = arith.index_cast %multiple_of3A : i32 to index
        %swap3A_213 = tpu.vector_load %arg9[%swap3A_211, %swap3A_212] {strides = array<i32>} : memref<8x2048xf32, #tpu.memory_space<vmem>>, vector<1x16xf32>,
        %swap3A_214 = vector.shape_cast %swap3A_213 : vector<1x16xf32> to vector<16xf32>
        %swap3A_215 = vector.shape_cast %get3A_174 : vector<16xf32> to vector<1x16xf32>
        tpu.vector_store %arg9[%swap3A_211, %swap3A_212], %swap3A_215 {add = true, strides = array<i32>} : memref<8x2048xf32, #tpu.memory_space<vmem>>, vector<1x16xf32>,
        %swap3A_216 = arith.constant 7 : i32
        %swap3A_217 = arith.index_cast %swap3A_216 : i32 to index
        %swap3A_218 = arith.index_cast %multiple_of3A : i32 to index
        %swap3A_219 = tpu.vector_load %arg9[%swap3A_217, %swap3A_218] {strides = array<i32>} : memref<8x2048xf32, #tpu.memory_space<vmem>>, vector<1x16xf32>,
        %swap3A_220 = vector.shape_cast %swap3A_219 : vector<1x16xf32> to vector<16xf32>
        %swap3A_221 = vector.shape_cast %get3A_174 : vector<16xf32> to vector<1x16xf32>
        tpu.vector_store %arg9[%swap3A_217, %swap3A_218], %swap3A_221 {add = true, strides = array<i32>} : memref<8x2048xf32, #tpu.memory_space<vmem>>, vector<1x16xf32>,
        %scan3A_222 = arith.constant 0 : i32
        scf.yield %scan3A_222 : i32
      }
      %scan3A_158 = arith.constant 128 : i32
      %mul3A_159 = arith.constant 8 : i32
      %mul3A_160 = arith.muli %add3A_138, %mul3A_159 : i32
      %add3A_161 = arith.addi %mul3A_2, %mul3A_160 : i32
      %dma_start3A_162 = arith.constant 0 : i32
      %dma_start3A_163 = tpu.memref_slice %arg5[%add3A_161, %dma_start3A_162] : memref<16384x2048xf32, #tpu.memory_space<hbm>> -> memref<8x2048xf32, #tpu.memory_space<hbm>>
      %dma_start3A_164 = arith.constant 0 : i32
      %dma_start3A_165 = tpu.memref_slice %arg5[%add3A_161, %dma_start3A_164] : memref<16384x2048xf32, #tpu.memory_space<hbm>> -> memref<8x2048xf32, #tpu.memory_space<hbm>>
      tpu.enqueue_dma source(%arg9 : memref<8x2048xf32, #tpu.memory_space<vmem>>) target(%dma_start3A_165 : memref<8x2048xf32, #tpu.memory_space<hbm>>) target_semaphore(%arg19 : memref<!tpu.dma_semaphore, #tpu.memory_space<semaphore_mem>>)
      %scan3A_166 = arith.constant 0 : i32
      scf.yield %scan3A_166 : i32
    }
    %scan3A_24 = arith.constant 16 : i32
    %dma_wait3A_25 = arith.constant 0 : i32
    %dma_wait3A_26 = arith.constant 0 : i32
    %dma_wait3A_27 = tpu.memref_slice %arg5[%dma_wait3A_25, %dma_wait3A_26] : memref<16384x2048xf32, #tpu.memory_space<hbm>> -> memref<8x2048xf32, #tpu.memory_space<hbm>>
    %dma_wait3A_28 = arith.constant 0 : i32
    %dma_wait3A_29 = arith.constant 0 : i32
    %dma_wait3A_30 = tpu.memref_slice %arg5[%dma_wait3A_28, %dma_wait3A_29] : memref<16384x2048xf32, #tpu.memory_space<hbm>> -> memref<8x2048xf32, #tpu.memory_space<hbm>>
    tpu.wait_dma2 semaphore(%arg16 : memref<!tpu.dma_semaphore, #tpu.memory_space<semaphore_mem>>) src(%arg6 : memref<8x2048xf32, #tpu.memory_space<vmem>>) dst(%dma_wait3A_30 : memref<8x2048xf32, #tpu.memory_space<hbm>>)
    %dma_wait3A_31 = arith.constant 0 : i32
    %dma_wait3A_32 = arith.constant 0 : i32
    %dma_wait3A_33 = tpu.memref_slice %arg5[%dma_wait3A_31, %dma_wait3A_32] : memref<16384x2048xf32, #tpu.memory_space<hbm>> -> memref<8x2048xf32, #tpu.memory_space<hbm>>
    %dma_wait3A_34 = arith.constant 0 : i32
    %dma_wait3A_35 = arith.constant 0 : i32
    %dma_wait3A_36 = tpu.memref_slice %arg5[%dma_wait3A_34, %dma_wait3A_35] : memref<16384x2048xf32, #tpu.memory_space<hbm>> -> memref<8x2048xf32, #tpu.memory_space<hbm>>
    tpu.wait_dma2 semaphore(%arg17 : memref<!tpu.dma_semaphore, #tpu.memory_space<semaphore_mem>>) src(%arg7 : memref<8x2048xf32, #tpu.memory_space<vmem>>) dst(%dma_wait3A_36 : memref<8x2048xf32, #tpu.memory_space<hbm>>)
    %dma_wait3A_37 = arith.constant 0 : i32
    %dma_wait3A_38 = arith.constant 0 : i32
    %dma_wait3A_39 = tpu.memref_slice %arg5[%dma_wait3A_37, %dma_wait3A_38] : memref<16384x2048xf32, #tpu.memory_space<hbm>> -> memref<8x2048xf32, #tpu.memory_space<hbm>>
    %dma_wait3A_40 = arith.constant 0 : i32
    %dma_wait3A_41 = arith.constant 0 : i32
    %dma_wait3A_42 = tpu.memref_slice %arg5[%dma_wait3A_40, %dma_wait3A_41] : memref<16384x2048xf32, #tpu.memory_space<hbm>> -> memref<8x2048xf32, #tpu.memory_space<hbm>>
    tpu.wait_dma2 semaphore(%arg18 : memref<!tpu.dma_semaphore, #tpu.memory_space<semaphore_mem>>) src(%arg8 : memref<8x2048xf32, #tpu.memory_space<vmem>>) dst(%dma_wait3A_42 : memref<8x2048xf32, #tpu.memory_space<hbm>>)
    %dma_wait3A_43 = arith.constant 0 : i32
    %dma_wait3A_44 = arith.constant 0 : i32
    %dma_wait3A_45 = tpu.memref_slice %arg5[%dma_wait3A_43, %dma_wait3A_44] : memref<16384x2048xf32, #tpu.memory_space<hbm>> -> memref<8x2048xf32, #tpu.memory_space<hbm>>
    %dma_wait3A_46 = arith.constant 0 : i32
    %dma_wait3A_47 = arith.constant 0 : i32
    %dma_wait3A_48 = tpu.memref_slice %arg5[%dma_wait3A_46, %dma_wait3A_47] : memref<16384x2048xf32, #tpu.memory_space<hbm>> -> memref<8x2048xf32, #tpu.memory_space<hbm>>
    tpu.wait_dma2 semaphore(%arg19 : memref<!tpu.dma_semaphore, #tpu.memory_space<semaphore_mem>>) src(%arg9 : memref<8x2048xf32, #tpu.memory_space<vmem>>) dst(%dma_wait3A_48 : memref<8x2048xf32, #tpu.memory_space<hbm>>)
    return
  }
}

</mosaic_0001>

<sc_bundles>
// kernel: kernel.3.cloned.1.call-start
scs
__scs_entry_jumppad:
0x0: {  	(pc) =	sbr.rel $0x88, $3  }
0x1: {  	(tag) =	ssettag $0x0;
	lr =	simm.s32 $0x1  }
0x2: {  	[smem:$0x3F9E] =	sst lr;
	_ =	strace $0xD0000000  }
0x3: {  	_ = 	snop  }
0x4: {  	_ = 	snop  }
0x5: {  	_ = 	snop  }
0x6: {  	_ = 	snop  }
0x7: {  	_ = 	snop  }
__scs_overlays_trampoline_lowered:
0x8: {  	[smem:$0x3FAD] =	sst s0  }
0x9: {  	[smem:$0x3FAE] =	sst s1  }
0xa: {  	[smem:$0x3FAF] =	sst s2  }
0xb: {  	[smem:$0x3FB0] =	sst s3  }
0xc: {  	[smem:$0x3FB1] =	sst s4  }
0xd: {  	[smem:$0x3FB2] =	sst s5  }
0xe: {  	[smem:$0x3FB3] =	sst s6  }
0xf: {  	[smem:$0x3FB4] =	sst s7  }
0x10: {  	[smem:$0x3FB5] =	sst s8  }
0x11: {  	[smem:$0x3FB6] =	sst s9;
	s0 =	simm.s32 @!p0 $0x0  }
0x12: {  	s1 =	sld [smem:$0x3F9C];
	s0 =	simm.s32 @p0 $0x1  }
0x13: {  	[smem:$0x3FB7] =	sst s0;
	s0 =	simm.s32 @!p1 $0x0  }
0x14: {  	s2 =	sld [smem:$0x3F9B];
	s0 =	simm.s32 @p1 $0x1  }
0x15: {  	[smem:$0x3FB8] =	sst s0;
	s0 =	simm.s32 @!p2 $0x0  }
0x16: {  	s3 =	sld [smem:$0x3FDB];
	s0 =	simm.s32 @p2 $0x1  }
0x17: {  	s4 =	simm.s32 $0x1BF5;
	[smem:$0x3FBA] =	sst s0  }
0x18: {  	s0 =	sld [smem:$0x3F9D];
	_ =	swait.ge [sflag:s4], $0x0  }
0x19: {  	s7 =	sld [smem:$0x3F9E]  }
0x1a: {  	s8 =	sadd.s32 $0xFFFFE003, lr  }
0x1b: {  	s9 =	sadd.s32 $0xFFFFFEF7, lr;
	s5 =	simm.s32 $0xFFFFFFFF;
	p2 =	slt.u32 s8, $0xFFFFF086  }
0x1c: {  	p1 =	slt.u32 s9, $0xF7A;
	s5 =	simm.s32 @!p2 $0x0  }
0x1d: {  	s5 =	simm.s32 @p1 $0x1;
	p0 =	seq.s32 s7, s2  }
0x1e: {  	s7 =	smul.u32 @!p0 $0xF7A, s2;
	p2 =	seq.s32 @!p0 s5, $0x0  }
0x1f: {  	s9 =	smul.u32 $0xF7A, s1;
	s8 =	simm.s32 @!p0 $0x1BF5;
	p2 =	por !p2, p0  }
0x20: {  	[sflag:s8] =	ssyncset.s32 @!p0 $0xFFFFF086;
	s6 =	sadd.s32 @!p0 s3, s7;
	s7 =	simm.s32 @!p0 $0x108  }
0x21: {  	s3 =	sadd.s32 s3, s9;
	s6 =	sadd.s32 @!p0 $0x88, s6;
	s7 =	simm.s32 @p2 $0x1082  }
0x22: {  	[simem:s7], [sflag:s8] =	dma.local @!p0 [hbm:s6], $0xF7A  }
0x23: {  	s9 =	sor.u32 $0xD0000000, s2;
	s6 =	simm.s32 $0x108;
	_ =	swait.ge @!p0 [sflag:s8], $0x0  }
0x24: {  	s3 =	sadd.s32 $0x88, s3;
	s6 =	simm.s32 @!p1 $0x1082;
	[sflag:s4] =	ssyncset.s32 $0xFFFFF086  }
0x25: {  	[simem:s6], [sflag:s4] =	dma.local [hbm:s3], $0xF7A  }
0x26: {  	[smem:$0x3F9E] =	sst s1;
	(tag) =	ssettag s2;
	_ =	strace s9  }
0x27: {  	s1 =	sld [smem:$0x3FAE]  }
0x28: {  	s2 =	sld [smem:$0x3FAF]  }
0x29: {  	s4 =	sld [smem:$0x3FB1]  }
0x2a: {  	p0 =	seq.s32 s5, $0x0;
	s5 =	sld [smem:$0x3FB2]  }
0x2b: {  	s6 =	sld [smem:$0x3FB3]  }
0x2c: {  	s7 =	sld [smem:$0x3FB4]  }
0x2d: {  	s3 =	simm.s32 $0x108;
	s8 =	sld [smem:$0x3FB5]  }
0x2e: {  	s3 =	simm.s32 @!p0 $0x1082;
	s9 =	sld [smem:$0x3FB6]  }
0x2f: {  	lr =	sadd.s32 s0, s3;
	s0 =	sld [smem:$0x3FAD]  }
0x30: {  	s3 =	sld [smem:$0x3FB0]  }
0x31: {  	[smem:$0x3FB9] =	sst s10  }
0x32: {  	s10 =	sld [smem:$0x3FB7];
	_ =	sdelay $0x3  }
0x33: {  	p0 =	seq.s32 s10, $0x1;
	s10 =	sld [smem:$0x3FB9];
	_ =	sdelay $0x3  }
0x34: {  	[smem:$0x3FB9] =	sst s10  }
0x35: {  	s10 =	sld [smem:$0x3FB8];
	_ =	sdelay $0x3  }
0x36: {  	p1 =	seq.s32 s10, $0x1;
	s10 =	sld [smem:$0x3FB9];
	_ =	sdelay $0x3  }
0x37: {  	[smem:$0x3FB9] =	sst s10  }
0x38: {  	s10 =	sld [smem:$0x3FBA]  }
0x39: {  	_ = 	snop;
	(pc) =	sbr.ind lr, $3  }
0x3a: {  	_ = 	snop  }
0x3b: {  	_ = 	snop  }
0x3c: {  	p2 =	seq.s32 s10, $0x1;
	s10 =	sld [smem:$0x3FB9]  }
0x3d: {  	_ =	shalt  }
0x3e: {  	_ =	shalt  }
0x3f: {  	_ =	shalt  }
0x40: {  	_ =	shalt  }
0x41: {  	_ =	shalt  }
0x42: {  	_ =	shalt  }
0x43: {  	_ =	shalt  }
0x44: {  	_ =	shalt  }
0x45: {  	_ =	shalt  }
0x46: {  	_ =	shalt  }
0x47: {  	_ =	shalt  }
0x48: {  	_ =	shalt  }
0x49: {  	_ =	shalt  }
0x4a: {  	_ =	shalt  }
0x4b: {  	_ =	shalt  }
0x4c: {  	_ =	shalt  }
0x4d: {  	_ =	shalt  }
0x4e: {  	_ =	shalt  }
0x4f: {  	_ =	shalt  }
0x50: {  	_ =	shalt  }
0x51: {  	_ =	shalt  }
0x52: {  	_ =	shalt  }
0x53: {  	_ =	shalt  }
0x54: {  	_ =	shalt  }
0x55: {  	_ =	shalt  }
0x56: {  	_ =	shalt  }
0x57: {  	_ =	shalt  }
0x58: {  	_ =	shalt  }
0x59: {  	_ =	shalt  }
0x5a: {  	_ =	shalt  }
0x5b: {  	_ =	shalt  }
0x5c: {  	_ =	shalt  }
0x5d: {  	_ =	shalt  }
0x5e: {  	_ =	shalt  }
0x5f: {  	_ =	shalt  }
0x60: {  	_ =	shalt  }
0x61: {  	_ =	shalt  }
0x62: {  	_ =	shalt  }
0x63: {  	_ =	shalt  }
0x64: {  	_ =	shalt  }
0x65: {  	_ =	shalt  }
0x66: {  	_ =	shalt  }
0x67: {  	_ =	shalt  }
0x68: {  	_ =	shalt  }
0x69: {  	_ =	shalt  }
0x6a: {  	_ =	shalt  }
0x6b: {  	_ =	shalt  }
0x6c: {  	_ =	shalt  }
0x6d: {  	_ =	shalt  }
0x6e: {  	_ =	shalt  }
0x6f: {  	_ =	shalt  }
0x70: {  	_ =	shalt  }
0x71: {  	_ =	shalt  }
0x72: {  	_ =	shalt  }
0x73: {  	_ =	shalt  }
0x74: {  	_ =	shalt  }
0x75: {  	_ =	shalt  }
0x76: {  	_ =	shalt  }
0x77: {  	_ =	shalt  }
0x78: {  	_ =	shalt  }
0x79: {  	_ =	shalt  }
0x7a: {  	_ =	shalt  }
0x7b: {  	_ =	shalt  }
0x7c: {  	_ =	shalt  }
0x7d: {  	_ =	shalt  }
0x7e: {  	_ =	shalt  }
0x7f: {  	_ =	shalt  }
0x80: {  	_ =	shalt  }
0x81: {  	_ =	shalt  }
0x82: {  	_ =	shalt  }
0x83: {  	_ =	shalt  }
0x84: {  	_ =	shalt  }
0x85: {  	_ =	shalt  }
0x86: {  	_ =	shalt  }
0x87: {  	_ =	shalt  }
.Lfunc_end0:
.L_simem_size_0:
called_computation_lowered:
.L_overlay_start_0:
0x88: {  	s2 =	sld [smem:$0x3FD9]  }
0x89: {  	s3 =	sld [smem:$0x3FFE];
	_ =	sdelay $0x1  }
0x8a: {  	s1 =	srdreg.scid  }
0x8b: {  	s0 =	sand.u32 $0x1, s1  }
0x8c: {  	s18 =	sshll.u32 s0, $0xA;
	s2 =	sadd.s32 s3, s2  }
0x8d: {  	s2 =	sadd.s32 s2, s18  }
0x8e: {  	[smem:$0x3FC5] =	sst s2  }
0x8f: {  	_ = 	snop  }
0x90: {  	s2 =	sld [smem:$0x3FC9]  }
0x91: {  	s19 =	sld [smem:$0x3FC8]  }
0x92: {  	s4 =	sld [smem:$0x3FC7]  }
0x93: {  	s5 =	sld [smem:$0x3FD0];
	(tm) =	ssettm $0x1  }
0x94: {  	s6 =	sld [smem:$0x3FFB];
	_ =	sdelay $0x3  }
0x95: {  	_ =	strace s6  }
0x96: {  	s6 =	sld [smem:$0x3FFC];
	_ =	sdelay $0x3  }
0x97: {  	_ =	strace s6  }
0x98: {  	s6 =	sld [smem:$0x3FFD];
	_ =	sdelay $0x3  }
0x99: {  	_ =	strace s6  }
0x9a: {  	_ =	strace $0x8FFFFFFF  }
0x9b: {  	s20 =	sld [smem:$0x3FDB];
	_ =	sdelay $0x1  }
0x9c: {  	s7 =	simm.s32 $_scs_section_size  }
0x9d: {  	s8 =	simm.s32 $_size__tile_overlayer_lowered;
	s9 =	simm.s32 $_tile_overlayer_lowered  }
0x9e: {  	s23 =	simm.s32 $0x1BFF;
	s22 =	sshll.u32 s9, $0x1;
	s6 =	sadd.s32 s7, s20  }
0x9f: {  	s10 =	simm.s32 $0x0;
	s21 =	sshll.u32 s8, $0x1;
	s8 =	sadd.s32 s22, s6  }
0xa0: {  	[timem:s10], [sflag:s23] =	dma.local [hbm:s8], s21  }
0xa1: {  	_ =	swait.ge [sflag:s23], s21  }
0xa2: {  	s7 =	ssub.s32 $0x0, s21;
	[sflag:s23] =	ssyncset.done $0x0  }
0xa3: {  	[sflag:s23] =	ssyncadd.s32 s7;
	_ =	sdelay $0x1  }
0xa4: {  	s24 =	simm.s32 $0x1B8B  }
0xa5: {  	_ =	swait.ge [sflag:s24], $0x1  }
0xa6: {  	[sflag:s24] =	ssyncset.done $0x0  }
0xa7: {  	s25 =	simm.s32 $0x1B8E;
	[sflag:s24] =	ssyncadd.s32 $0xFFFFFFFF  }
0xa8: {  	s26 =	simm.s32 $execute0_lowered;
	[smem:$0x3FD2] =	sst s25  }
0xa9: {  	s7 =	sshll.u32 s26, $0x1;
	_ =	strace $0x80000046;
	[dreg:$0x1] =	wrdreg $0xFFFFFFFF  }
0xaa: {  	s28 =	simm.s32 $_size_execute0_lowered;
	s6 =	sadd.s32 s6, s7;
	[dreg:$0x0] =	wrdreg $0x0  }
0xab: {  	s7 =	sshll.u32 s28, $0x1;
	[dreg:$0x2] =	wrdreg s6  }
0xac: {  	[dreg:$0x3] =	wrdreg s7  }
0xad: {  	[dreg:$0x4] =	wrdreg $0xC0  }
0xae: {  	_ =	task [dreg:s10], $0x5FFFF  }
0xaf: {  	[dreg:$0x1] =	wrdreg $0xFFFFFFFF  }
0xb0: {  	[dreg:$0x0] =	wrdreg $0x60  }
0xb1: {  	[dreg:$0x2] =	wrdreg s2  }
0xb2: {  	[dreg:$0x3] =	wrdreg s19  }
0xb3: {  	[dreg:$0x4] =	wrdreg s4  }
0xb4: {  	[dreg:$0x5] =	wrdreg s5  }
0xb5: {  	[dreg:$0x6] =	wrdreg $0x9  }
0xb6: {  	_ =	task.clear_ibuf [dreg:s10], $0x7FFFF;
	_ =	strace $0x90000046  }
0xb7: {  	s29 =	simm.s32 $0x9;
	_ =	strace $0x80000048  }
0xb8: {  	_ =	swait.ge [sflag:s29], $0x1  }
0xb9: {  	[sflag:s29] =	ssyncadd.s32 $0xFFFFFFFF  }
0xba: {  	_ =	strace $0x90000048  }
0xbb: {  	_ =	sfence  }
0xbc: {  	s30 =	sld [smem:$0x0];
	_ =	sdelay $0x2  }
0xbd: {  	s31 =	sshll.u32 s1, $0xD;
	s1 =	sshrl.u32 s1, $0x2  }
0xbe: {  	s3 =	sand.u32 $0x4000, s31;
	s1 =	sadd.s32 s1, s30  }
0xbf: {  	s0 =	sor.u32 s3, s0;
	s1 =	sshll.u32 s1, $0x11  }
0xc0: {  	s0 =	sor.u32 s1, s0  }
0xc1: {  	s0 =	sadd.s32 $0x8F2B, s0  }
0xc2: {  	[sflag:s0] =	ssyncadd.remote.s32 $0x1  }
0xc3: {  	_ =	sfence.sel $0xFFFF  }
0xc4: {  	[dreg:$0x0] =	wrdreg $0xFFFFFFFF;
	(pc) =	sbr.abs _section_cstart, $3  }
0xc5: {  	[dreg:$0x1] =	wrdreg $0xFFFFFFFF  }
0xc6: {  	_ =	task.clear_ibuf [dreg:s10], $0x2FFFF;
	_ =	strace $0x9FFFFFFF  }
0xc7: {  	(tm) =	ssettm $0x7FFFFFFF  }
tec
execute0_lowered:
.L_overlay_start_1:
0x0: {  	(tag) =	ssettag $0x1  }
0x1: {  	s1 =	rddreg [dreg:$0x0]  }
0x2: {  	s5 =	rddreg [dreg:$0x3]  }
0x3: {  	s0 =	srdreg.scid;
	s2 =	stileid.u32  }
0x4: {  	s6 =	simm.s32 $0x0;
	s18 =	simm.s32 $0x5;
	s19 =	simm.s32 $0x4000  }
0x5: {  	s20 =	simm.s32 $0x8000;
	s21 =	simm.s32 $0x1;
	s22 =	simm.s32 $0xC000  }
0x6: {  	s23 =	simm.s32 $0x2;
	s24 =	simm.s32 $0x3;
	s28 =	simm.s32 $0x7  }
0x7: {  	s29 =	simm.s32 $0x8;
	s30 =	simm.s32 $0x0;
	s0 =	sand.u32 $0x1, s0  }
0x8: {  	s2 =	sshll.u32 s2, $0xA;
	s3 =	sshll.u32 s0, $0x9;
	s0 =	ssub.s32 $0x2, s0  }
0x9: {  	[smem:$0x7FF] =	sst s6;
	s2 =	sor.u32 s3, s2;
	s25 =	sshrl.u32 s0, $0x1  }
0xa: {  	_ =	strace $0x80000047;
	s4 =	sshll.u32 s2, $0x8;
	s0 =	ssub.s32 s0, s25  }
0xb: {  	s8 =	sshrl.u32 s2, $0x3;
	s25 =	simm.s32 $0x4;
	s26 =	sadd.s32 s1, s4  }
0xc: {  	s10 =	sadd.s32 s5, s4;
	s0 =	smax.u32 s0, $0x1;
	[dreg:$0x5] =	wrdreg s26  }
0xd: {  	v1 =	vlaneseq.u32;
	s11 =	sor.u32 $0x4, s8;
	s31 =	sadd.s32 $0x800, s26;
	[dreg:$0x7] =	wrdreg s0  }
0xe: {  	v0 =	vimm.s32 $0x0;
	vm0 =	vmmov $0xffff;
	v1 =	vmul.u32 $0x4, v1;
	s12 =	sor.u32 $0x5, s8;
	s14 =	sadd.s32 $0x800, s10;
	[dreg:$0x6] =	wrdreg s31  }
.LBB2_1:
0xf: {  	s0 =	rddreg [dreg:$0x1];
	s2 =	simm.s32 $0x10800;
	s15 =	simm.s32 $0x9  }
0x10: {  	[tilespmem:s2], [sflag:$0x9] =	stream.linear.gather [hbm4b:s0+s6], $0x80, $0x38;
	[tilespmem:$0x10880] =	vst v63  }
0x11: {  	_ =	swait.ge [sflag:s15], $0x80  }
0x12: {  	[sflag:s15] =	ssyncset.done $0x0  }
0x13: {  	[sflag:s15] =	ssyncadd.s32 $0xFFFFFF80  }
0x14: {  	v2 =	vld.msk [tilespmem:$0x10800], $0x1;
	_ =	sdelay $0x4  }
0x15: {  	v3 =	vshll.u32 v2, $0x4  }
0x16: {  	v2 =	vand.u32 $0x3, v2;
	v3 =	vand.u32 $0xFFFFFFC0, v3  }
0x17: {  	v2 =	vor.u32 v2, v3  }
0x18: {  	v2 =	vperm.xlane v2, v0;
	_ =	sdelay $0x1  }
0x19: {  	v2 =	vadd.s32 v1, v2;
	_ =	sdelay $0x3  }
0x1a: {  	s16 =	simm.s32 $0x10000;
	s0 =	rddreg [dreg:$0x2]  }
0x1b: {  	[tilespmem:s16], [sflag:$0x5] =	stream.indirect_vreg.gather [hbm4b:s0+s6], $0x80, v2, vm0, $0xb8;
	[tilespmem:$0x10880] =	vst v63  }
0x1c: {  	_ =	swait.ge [sflag:s18], $0x800  }
0x1d: {  	[sflag:s18] =	ssyncset.done $0x0  }
0x1e: {  	s17 =	rddreg [dreg:$0x5];
	[sflag:s18] =	ssyncadd.s32 $0xFFFFF800  }
0x1f: {  	[tilespmem:s6], [sflag:$0x1] =	stream.linear.gather [hbm4b:s17+s6], $0x4000, $0x38;
	[tilespmem:$0x10880] =	vst v63  }
0x20: {  	s31 =	simm.s32 $0x0;
	s26 =	rddreg [dreg:$0x6]  }
0x21: {  	[tilespmem:s19], [sflag:$0x2] =	stream.linear.gather [hbm4b:s26+s6], $0x4000, $0x38;
	[tilespmem:$0x10880] =	vst v63  }
.LBB2_2:
0x22: {  	s0 =	sshll.u32 s31, $0x2  }
0x23: {  	p0 =	seq.s32 s31, $0x0;
	s2 =	sor.u32 $0x2, s0  }
0x24: {  	s3 =	simm.s32 @!p0 $0x7;
	s2 =	sadd.s32 s8, s2  }
0x25: {  	_ =	swait.ge @!p0 [sflag:s3], $0x4000;
	s2 =	sshll.u32 s2, $0xB  }
0x26: {  	[sflag:s3] =	ssyncset.done @!p0 $0x0;
	s2 =	sand.u32 $0x1FFFF000, s2  }
0x27: {  	[sflag:s3] =	ssyncadd.s32 @!p0 $0xFFFFC000;
	s3 =	simm.s32 $0x0;
	s4 =	sadd.s32 s1, s2  }
0x28: {  	[tilespmem:s20], [sflag:$0x3] =	stream.linear.gather [hbm4b:s4+s3], $0x4000, $0x38;
	[tilespmem:$0x10880] =	vst v63  }
0x29: {  	_ =	swait.ge [sflag:s21], $0x4000  }
0x2a: {  	[sflag:s21] =	ssyncset.done $0x0  }
0x2b: {  	s4 =	simm.s32 $0x10000;
	[sflag:s21] =	ssyncadd.s32 $0xFFFFC000  }
0x2c: {  	v2 =	vld [tilespmem:s4+$0x0];
	_ =	sdelay $0x2  }
0x2d: {  	s7 =	sand.u32 $0x70, s3;
	s9 =	sand.u32 $0x3C00, s3  }
0x2e: {  	s7 =	sor.u32 s7, s9  }
0x2f: {  	s9 =	sor.u32 $0x80, s7;
	[tilespmem:s7+$0x0] =	vst.add.f32.msk $0xffff, v2  }
0x30: {  	s15 =	sor.u32 $0x100, s7;
	[tilespmem:s9+$0x0] =	vst.add.f32.msk $0xffff, v2  }
0x31: {  	s16 =	sor.u32 $0x180, s7;
	[tilespmem:s15+$0x0] =	vst.add.f32.msk $0xffff, v2  }
0x32: {  	s13 =	sand.u32 $0x7, s3;
	s17 =	sor.u32 $0x200, s7;
	[tilespmem:s16+$0x0] =	vst.add.f32.msk $0xffff, v2  }
0x33: {  	s13 =	sshll.u32 s13, $0x4;
	s26 =	sor.u32 $0x280, s7;
	[tilespmem:s17+$0x0] =	vst.add.f32.msk $0xffff, v2  }
0x34: {  	s13 =	sadd.s32 $0x0, s13;
	s7 =	sor.u32 $0x300, s7;
	[tilespmem:s26+$0x0] =	vst.add.f32.msk $0xffff, v2  }
0x35: {  	s9 =	simm.s32 $0x10;
	s15 =	sor.u32 $0x380, s13;
	s13 =	simm.s32 $0x0;
	[tilespmem:s7+$0x0] =	vst.add.f32.msk $0xffff, v2  }
.LBB2_3:
0x36: {  	[tilespmem:s15+$0x0] =	vst.add.f32.msk $0xffff, v2;
	s3 =	sadd.s32 $0x80, s3;
	s13 =	sadd.s32 $0x1, s13;
	s4 =	sadd.s32 $0x10, s4  }
0x37: {  	p1 =	sne.s32 s9, $0x7F0;
	s7 =	smov.u32 s9;
	s9 =	sadd.s32 $0x10, s9;
	v2 =	vld [tilespmem:s4+$0x0]  }
0x38: {  	_ =	sdelay $0x1  }
0x39: {  	s7 =	sand.u32 $0x70, s7;
	s15 =	sand.u32 $0x3C00, s3  }
0x3a: {  	s7 =	sor.u32 s7, s15  }
0x3b: {  	s15 =	sor.u32 $0x80, s7;
	[tilespmem:s7+$0x0] =	vst.add.f32.msk $0xffff, v2  }
0x3c: {  	[tilespmem:s15+$0x0] =	vst.add.f32.msk $0xffff, v2;
	s15 =	sor.u32 $0x100, s7  }
.Ltmp0:
0x3d: {  	[tilespmem:s15+$0x0] =	vst.add.f32.msk $0xffff, v2;
	s15 =	sor.u32 $0x180, s7;
	(pc) =	sbr.rel @p1 .LBB2_3-.Ltmp0, $4  }
0x3e: {  	s17 =	sand.u32 $0x7, s13;
	[tilespmem:s15+$0x0] =	vst.add.f32.msk $0xffff, v2;
	s15 =	sor.u32 $0x200, s7  }
0x3f: {  	s17 =	sshll.u32 s17, $0x4;
	[tilespmem:s15+$0x0] =	vst.add.f32.msk $0xffff, v2;
	s15 =	sor.u32 $0x280, s7  }
0x40: {  	s17 =	sadd.s32 s17, s3;
	s7 =	sor.u32 $0x300, s7;
	[tilespmem:s15+$0x0] =	vst.add.f32.msk $0xffff, v2  }
0x41: {  	s15 =	sor.u32 $0x380, s17;
	[tilespmem:s7+$0x0] =	vst.add.f32.msk $0xffff, v2  }
0x42: {  	s4 =	sshll.u32 s31, $0xD  }
0x43: {  	[tilespmem:s15+$0x0] =	vst.add.f32.msk $0xffff, v2;
	s16 =	sor.u32 $0x3, s0;
	s7 =	simm.s32 @!p0 $0x8;
	s3 =	sadd.s32 s4, s10  }
0x44: {  	[hbm4b:s3+s6] =	stream.linear.scatter [tilespmem:s6], [sflag:$0x5], $0x4000, $0x38;
	[tilespmem:$0x10880] =	vst v63  }
0x45: {  	s3 =	sadd.s32 s8, s16;
	_ =	swait.ge @!p0 [sflag:s7], $0x4000  }
0x46: {  	s3 =	sshll.u32 s3, $0xB;
	[sflag:s7] =	ssyncset.done @!p0 $0x0  }
0x47: {  	s15 =	simm.s32 $0x0;
	s17 =	sadd.s32 s1, s3;
	[sflag:s7] =	ssyncadd.s32 @!p0 $0xFFFFC000  }
0x48: {  	[tilespmem:s22], [sflag:$0x4] =	stream.linear.gather [hbm4b:s17+s15], $0x4000, $0x38;
	[tilespmem:$0x10880] =	vst v63  }
0x49: {  	_ =	swait.ge [sflag:s23], $0x4000  }
0x4a: {  	[sflag:s23] =	ssyncset.done $0x0  }
0x4b: {  	s17 =	simm.s32 $0x10000;
	[sflag:s23] =	ssyncadd.s32 $0xFFFFC000  }
0x4c: {  	v2 =	vld [tilespmem:s17+$0x0];
	_ =	sdelay $0x1  }
0x4d: {  	s26 =	sand.u32 $0x70, s15;
	s9 =	sand.u32 $0x3C00, s15  }
0x4e: {  	s7 =	sor.u32 s26, s9  }
0x4f: {  	s9 =	sor.u32 $0x4000, s7  }
0x50: {  	s13 =	sor.u32 $0x4080, s7;
	[tilespmem:s9+$0x0] =	vst.add.f32.msk $0xffff, v2  }
0x51: {  	s16 =	sor.u32 $0x4100, s7;
	[tilespmem:s13+$0x0] =	vst.add.f32.msk $0xffff, v2  }
0x52: {  	s26 =	sor.u32 $0x4180, s7;
	[tilespmem:s16+$0x0] =	vst.add.f32.msk $0xffff, v2  }
0x53: {  	s13 =	sand.u32 $0x7, s15;
	s16 =	sor.u32 $0x4200, s7;
	[tilespmem:s26+$0x0] =	vst.add.f32.msk $0xffff, v2  }
0x54: {  	s13 =	sshll.u32 s13, $0x4;
	s26 =	sor.u32 $0x4280, s7;
	[tilespmem:s16+$0x0] =	vst.add.f32.msk $0xffff, v2  }
0x55: {  	s13 =	sadd.s32 $0x0, s13;
	s7 =	sor.u32 $0x4300, s7;
	[tilespmem:s26+$0x0] =	vst.add.f32.msk $0xffff, v2  }
0x56: {  	s9 =	simm.s32 $0x10;
	[tilespmem:s7+$0x0] =	vst.add.f32.msk $0xffff, v2;
	s7 =	sor.u32 $0x380, s13;
	s13 =	simm.s32 $0x0  }
.LBB2_5:
0x57: {  	[tilespmem:s7+$0x4000] =	vst.add.f32.msk $0xffff, v2;
	s15 =	sadd.s32 $0x80, s15;
	s13 =	sadd.s32 $0x1, s13;
	s17 =	sadd.s32 $0x10, s17  }
0x58: {  	p0 =	sne.s32 s9, $0x7F0;
	s7 =	smov.u32 s9;
	s9 =	sadd.s32 $0x10, s9;
	v2 =	vld [tilespmem:s17+$0x0]  }
0x59: {  	_ = 	snop  }
0x5a: {  	s7 =	sand.u32 $0x70, s7;
	s16 =	sand.u32 $0x3C00, s15  }
0x5b: {  	s7 =	sor.u32 s7, s16  }
0x5c: {  	s16 =	sor.u32 $0x4000, s7  }
0x5d: {  	[tilespmem:s16+$0x0] =	vst.add.f32.msk $0xffff, v2;
	s16 =	sor.u32 $0x4080, s7  }
0x5e: {  	[tilespmem:s16+$0x0] =	vst.add.f32.msk $0xffff, v2;
	s16 =	sor.u32 $0x4100, s7  }
.Ltmp1:
0x5f: {  	[tilespmem:s16+$0x0] =	vst.add.f32.msk $0xffff, v2;
	s16 =	sor.u32 $0x4180, s7;
	(pc) =	sbr.rel @p0 .LBB2_5-.Ltmp1, $4  }
0x60: {  	s26 =	sand.u32 $0x7, s13;
	[tilespmem:s16+$0x0] =	vst.add.f32.msk $0xffff, v2;
	s16 =	sor.u32 $0x4200, s7  }
0x61: {  	s26 =	sshll.u32 s26, $0x4;
	[tilespmem:s16+$0x0] =	vst.add.f32.msk $0xffff, v2;
	s16 =	sor.u32 $0x4280, s7  }
0x62: {  	s26 =	sadd.s32 s26, s15;
	s7 =	sor.u32 $0x4300, s7;
	[tilespmem:s16+$0x0] =	vst.add.f32.msk $0xffff, v2  }
0x63: {  	[tilespmem:s7+$0x0] =	vst.add.f32.msk $0xffff, v2;
	s7 =	sor.u32 $0x380, s26  }
0x64: {  	[tilespmem:s7+$0x4000] =	vst.add.f32.msk $0xffff, v2;
	s4 =	sadd.s32 s14, s4;
	p0 =	seq.s32 s31, $0xF  }
0x65: {  	[hbm4b:s4+s6] =	stream.linear.scatter [tilespmem:s19], [sflag:$0x6], $0x4000, $0x38;
	[tilespmem:$0x10880] =	vst v63  }
0x66: {  	s4 =	simm.s32 @!p0 $0x5;
	s7 =	sadd.s32 @!p0 s0, s11  }
0x67: {  	_ =	swait.ge @!p0 [sflag:s4], $0x4000;
	s7 =	sshll.u32 @!p0 s7, $0xB  }
0x68: {  	[sflag:s4] =	ssyncset.done @!p0 $0x0;
	s7 =	sand.u32 @!p0 $0x1FFFE000, s7  }
0x69: {  	[sflag:s4] =	ssyncadd.s32 @!p0 $0xFFFFC000;
	s4 =	sadd.s32 @!p0 s1, s7;
	s7 =	simm.s32 @!p0 $0x0  }
0x6a: {  	[tilespmem:s7], [sflag:$0x1] =	stream.linear.gather @!p0 [hbm4b:s4+s7], $0x4000, $0x38;
	[tilespmem:$0x10880] =	vst v63  }
0x6b: {  	_ =	swait.ge [sflag:s24], $0x4000  }
0x6c: {  	[sflag:s24] =	ssyncset.done $0x0  }
0x6d: {  	s4 =	simm.s32 $0x10000;
	[sflag:s24] =	ssyncadd.s32 $0xFFFFC000  }
0x6e: {  	v2 =	vld [tilespmem:s4+$0x0]  }
0x6f: {  	s15 =	simm.s32 $0x0  }
0x70: {  	s17 =	sand.u32 $0x70, s15;
	s9 =	sand.u32 $0x3C00, s15  }
0x71: {  	s7 =	sor.u32 s17, s9  }
0x72: {  	s9 =	sor.u32 $0x8000, s7  }
0x73: {  	s26 =	sor.u32 $0x8080, s7;
	[tilespmem:s9+$0x0] =	vst.add.f32.msk $0xffff, v2  }
0x74: {  	s13 =	sor.u32 $0x8100, s7;
	[tilespmem:s26+$0x0] =	vst.add.f32.msk $0xffff, v2  }
0x75: {  	s16 =	sor.u32 $0x8180, s7;
	[tilespmem:s13+$0x0] =	vst.add.f32.msk $0xffff, v2  }
0x76: {  	s17 =	sor.u32 $0x8200, s7;
	s13 =	sand.u32 $0x7, s15;
	[tilespmem:s16+$0x0] =	vst.add.f32.msk $0xffff, v2  }
0x77: {  	s26 =	sor.u32 $0x8280, s7;
	s13 =	sshll.u32 s13, $0x4;
	[tilespmem:s17+$0x0] =	vst.add.f32.msk $0xffff, v2  }
0x78: {  	s7 =	sor.u32 $0x8300, s7;
	s13 =	sadd.s32 $0x0, s13;
	[tilespmem:s26+$0x0] =	vst.add.f32.msk $0xffff, v2  }
0x79: {  	s9 =	simm.s32 $0x10;
	[tilespmem:s7+$0x0] =	vst.add.f32.msk $0xffff, v2;
	s7 =	sor.u32 $0x380, s13;
	s13 =	simm.s32 $0x0  }
.LBB2_7:
0x7a: {  	[tilespmem:s7+$0x8000] =	vst.add.f32.msk $0xffff, v2;
	s15 =	sadd.s32 $0x80, s15;
	s13 =	sadd.s32 $0x1, s13;
	s4 =	sadd.s32 $0x10, s4  }
0x7b: {  	p1 =	sne.s32 s9, $0x7F0;
	s7 =	smov.u32 s9;
	s9 =	sadd.s32 $0x10, s9;
	v2 =	vld [tilespmem:s4+$0x0]  }
0x7c: {  	_ = 	snop  }
0x7d: {  	s7 =	sand.u32 $0x70, s7;
	s16 =	sand.u32 $0x3C00, s15  }
0x7e: {  	s7 =	sor.u32 s7, s16  }
0x7f: {  	s16 =	sor.u32 $0x8000, s7  }
0x80: {  	[tilespmem:s16+$0x0] =	vst.add.f32.msk $0xffff, v2;
	s16 =	sor.u32 $0x8080, s7  }
0x81: {  	[tilespmem:s16+$0x0] =	vst.add.f32.msk $0xffff, v2;
	s16 =	sor.u32 $0x8100, s7  }
.Ltmp2:
0x82: {  	[tilespmem:s16+$0x0] =	vst.add.f32.msk $0xffff, v2;
	s16 =	sor.u32 $0x8180, s7;
	(pc) =	sbr.rel @p1 .LBB2_7-.Ltmp2, $4  }
0x83: {  	s17 =	sand.u32 $0x7, s13;
	[tilespmem:s16+$0x0] =	vst.add.f32.msk $0xffff, v2;
	s16 =	sor.u32 $0x8200, s7  }
0x84: {  	s17 =	sshll.u32 s17, $0x4;
	[tilespmem:s16+$0x0] =	vst.add.f32.msk $0xffff, v2;
	s16 =	sor.u32 $0x8280, s7  }
0x85: {  	s17 =	sadd.s32 s17, s15;
	s7 =	sor.u32 $0x8300, s7;
	[tilespmem:s16+$0x0] =	vst.add.f32.msk $0xffff, v2  }
0x86: {  	[tilespmem:s7+$0x0] =	vst.add.f32.msk $0xffff, v2;
	s7 =	sor.u32 $0x380, s17  }
0x87: {  	[tilespmem:s7+$0x8000] =	vst.add.f32.msk $0xffff, v2;
	s2 =	sadd.s32 s5, s2  }
0x88: {  	[hbm4b:s2+s6] =	stream.linear.scatter [tilespmem:s20], [sflag:$0x7], $0x4000, $0x38;
	[tilespmem:$0x10880] =	vst v63  }
0x89: {  	s2 =	simm.s32 @!p0 $0x6  }
0x8a: {  	s0 =	sadd.s32 @!p0 s0, s12;
	_ =	swait.ge @!p0 [sflag:s2], $0x4000  }
0x8b: {  	s4 =	simm.s32 @!p0 $0x4000;
	s0 =	sshll.u32 @!p0 s0, $0xB;
	[sflag:s2] =	ssyncset.done @!p0 $0x0  }
0x8c: {  	s0 =	sadd.s32 @!p0 s1, s0;
	[sflag:s2] =	ssyncadd.s32 @!p0 $0xFFFFC000;
	s2 =	simm.s32 @!p0 $0x0  }
0x8d: {  	[tilespmem:s4], [sflag:$0x2] =	stream.linear.gather @!p0 [hbm4b:s0+s2], $0x4000, $0x38;
	[tilespmem:$0x10880] =	vst v63  }
0x8e: {  	_ =	swait.ge [sflag:s25], $0x4000  }
0x8f: {  	[sflag:s25] =	ssyncset.done $0x0  }
0x90: {  	s0 =	simm.s32 $0x10000;
	[sflag:s25] =	ssyncadd.s32 $0xFFFFC000  }
0x91: {  	v2 =	vld [tilespmem:s0+$0x0]  }
0x92: {  	s2 =	simm.s32 $0x0  }
0x93: {  	s17 =	sand.u32 $0x70, s2;
	s26 =	sand.u32 $0x3C00, s2  }
0x94: {  	s4 =	sor.u32 s17, s26  }
0x95: {  	s7 =	sor.u32 $0xC000, s4  }
0x96: {  	s9 =	sor.u32 $0xC080, s4;
	[tilespmem:s7+$0x0] =	vst.add.f32.msk $0xffff, v2  }
0x97: {  	s13 =	sor.u32 $0xC100, s4;
	[tilespmem:s9+$0x0] =	vst.add.f32.msk $0xffff, v2  }
0x98: {  	s15 =	sor.u32 $0xC180, s4;
	[tilespmem:s13+$0x0] =	vst.add.f32.msk $0xffff, v2  }
0x99: {  	s16 =	sor.u32 $0xC200, s4;
	s9 =	sand.u32 $0x7, s2;
	[tilespmem:s15+$0x0] =	vst.add.f32.msk $0xffff, v2  }
0x9a: {  	s17 =	sor.u32 $0xC280, s4;
	s9 =	sshll.u32 s9, $0x4;
	[tilespmem:s16+$0x0] =	vst.add.f32.msk $0xffff, v2  }
0x9b: {  	s26 =	sor.u32 $0xC300, s4;
	s9 =	sadd.s32 $0x0, s9;
	[tilespmem:s17+$0x0] =	vst.add.f32.msk $0xffff, v2  }
0x9c: {  	s4 =	simm.s32 $0x10;
	s7 =	sor.u32 $0x380, s9;
	s9 =	simm.s32 $0x0;
	[tilespmem:s26+$0x0] =	vst.add.f32.msk $0xffff, v2  }
.LBB2_9:
0x9d: {  	[tilespmem:s7+$0xC000] =	vst.add.f32.msk $0xffff, v2;
	s2 =	sadd.s32 $0x80, s2;
	s9 =	sadd.s32 $0x1, s9;
	s0 =	sadd.s32 $0x10, s0  }
0x9e: {  	p0 =	sne.s32 s4, $0x7F0;
	s7 =	smov.u32 s4;
	s4 =	sadd.s32 $0x10, s4;
	v2 =	vld [tilespmem:s0+$0x0]  }
0x9f: {  	_ = 	snop  }
0xa0: {  	s7 =	sand.u32 $0x70, s7;
	s13 =	sand.u32 $0x3C00, s2  }
0xa1: {  	s7 =	sor.u32 s7, s13  }
0xa2: {  	s13 =	sor.u32 $0xC000, s7  }
0xa3: {  	[tilespmem:s13+$0x0] =	vst.add.f32.msk $0xffff, v2;
	s13 =	sor.u32 $0xC080, s7  }
0xa4: {  	[tilespmem:s13+$0x0] =	vst.add.f32.msk $0xffff, v2;
	s13 =	sor.u32 $0xC100, s7  }
.Ltmp3:
0xa5: {  	[tilespmem:s13+$0x0] =	vst.add.f32.msk $0xffff, v2;
	s13 =	sor.u32 $0xC180, s7;
	(pc) =	sbr.rel @p0 .LBB2_9-.Ltmp3, $4  }
0xa6: {  	s15 =	sand.u32 $0x7, s9;
	[tilespmem:s13+$0x0] =	vst.add.f32.msk $0xffff, v2;
	s13 =	sor.u32 $0xC200, s7  }
0xa7: {  	s15 =	sshll.u32 s15, $0x4;
	[tilespmem:s13+$0x0] =	vst.add.f32.msk $0xffff, v2;
	s13 =	sor.u32 $0xC280, s7  }
0xa8: {  	s15 =	sadd.s32 s15, s2;
	s7 =	sor.u32 $0xC300, s7;
	[tilespmem:s13+$0x0] =	vst.add.f32.msk $0xffff, v2  }
0xa9: {  	[tilespmem:s7+$0x0] =	vst.add.f32.msk $0xffff, v2;
	s7 =	sor.u32 $0x380, s15  }
0xaa: {  	s31 =	sadd.s32 $0x1, s31  }
0xab: {  	p0 =	sne.s32 s31, $0x10  }
.Ltmp4:
0xac: {  	_ = 	snop;
	(pc) =	sbr.rel @p0 .LBB2_2-.Ltmp4, $3  }
0xad: {  	_ =	sdelay $0x1  }
0xae: {  	[tilespmem:s7+$0xC000] =	vst.add.f32.msk $0xffff, v2;
	s0 =	sadd.s32 s5, s3  }
0xaf: {  	[hbm4b:s0+s6] =	stream.linear.scatter [tilespmem:s22], [sflag:$0x8], $0x4000, $0x38;
	[tilespmem:$0x10880] =	vst v63  }
0xb0: {  	_ =	swait.ge [sflag:s18], $0x4000  }
0xb1: {  	[sflag:s18] =	ssyncset.done $0x0  }
0xb2: {  	s0 =	simm.s32 $0x6;
	[sflag:s18] =	ssyncadd.s32 $0xFFFFC000  }
0xb3: {  	_ =	swait.ge [sflag:s0], $0x4000  }
0xb4: {  	[sflag:s0] =	ssyncset.done $0x0  }
0xb5: {  	[sflag:s0] =	ssyncadd.s32 $0xFFFFC000  }
0xb6: {  	_ =	swait.ge [sflag:s28], $0x4000  }
0xb7: {  	[sflag:s28] =	ssyncset.done $0x0  }
0xb8: {  	[sflag:s28] =	ssyncadd.s32 $0xFFFFC000  }
0xb9: {  	_ =	swait.ge [sflag:s29], $0x4000  }
0xba: {  	s30 =	sadd.s32 $0x1, s30;
	s31 =	rddreg [dreg:$0x7]  }
0xbb: {  	p0 =	sne.s32 s30, s31  }
.Ltmp5:
0xbc: {  	_ = 	snop;
	(pc) =	sbr.rel @p0 .LBB2_1-.Ltmp5, $3  }
0xbd: {  	_ =	sdelay $0x1  }
0xbe: {  	[sflag:s29] =	ssyncset.done $0x0  }
0xbf: {  	[sflag:s29] =	ssyncadd.s32 $0xFFFFC000  }
0xc0: {  	_ =	sfence.sel $0x180000  }
0xc1: {  	[bflag:$0x0] =	sbarrier.arrive $0xFFFF  }
0xc2: {  	_ =	strace $0x90000047  }
0xc3: {  	s0 =	stileid.u32;
	[bflag:$0x2] =	sbarrier.arrive $0xFFFF  }
0xc4: {  	p0 =	sne.s32 s0, $0x0;
	s0 =	rddreg [dreg:$0x4]  }
0xc5: {  	s0 =	sadd.s32 @!p0 $0x100000, s0  }
0xc6: {  	[sflag:s0] =	ssyncadd.tile.s32 @!p0 $0x1;
	_ =	shalt  }
.Lfunc_end2:
_tile_overlayer_lowered:
.L_overlay_start_2:
0xc7: {  	(tag) =	ssettag $0x2  }
0xc8: {  	s0 =	rddreg [dreg:$0x0];
	s2 =	stileid.u32  }
0xc9: {  	s1 =	rddreg [dreg:$0x1];
	p0 =	sne.s32 s2, $0x0  }
0xca: {  	s3 =	rddreg [dreg:$0x2];
	[bflag:$0x3] =	sbarrier.arrive $0xFFFF;
	s2 =	simm.s32 @!p0 $0x1C09  }
0xcb: {  	[timem:s3], [sflag:s2] =	dma.local @!p0 [hbm:s0], s1  }
0xcc: {  	s0 =	simm.s32 @!p0 $0x9  }
0xcd: {  	_ =	swait.ge @!p0 [sflag:s0], s1  }
0xce: {  	s1 =	ssub.s32 @!p0 $0x0, s1;
	[sflag:s0] =	ssyncset.done @!p0 $0x0  }
0xcf: {  	[sflag:s0] =	ssyncadd.s32 @!p0 s1  }
0xd0: {  	[bflag:$0x3] =	sbarrier.arrive $0xFFFF  }
0xd1: {  	_ =	shalt  }

</sc_bundles>
